<compile_context>
chip_gen: v7x
topology: tpu7x:2x2x1
jax: 0.10.2.dev20260603
libtpu: 0.0.44.dev20260713+nightly
codegen_flags: <defaults>
</compile_context>

<pallas_src>
import functools

import jax
import jax.numpy as jnp
from jax import lax
from jax.experimental import pallas as pl
from jax.experimental.pallas import tpu as pltpu
from jax.experimental.pallas import tpu_sc as plsc

NC = 2
NS = 16
NW = NC * NS
CH = 128

_MESH = functools.partial(
    plsc.VectorSubcoreMesh, core_axis_name="c", subcore_axis_name="s"
)


def _deg_kernel(E, NPAD):
    PT = NPAD // NS
    TOTCH = E // CH
    BASE, EXTRA = TOTCH // NW, TOTCH % NW
    LCH = BASE + 1
    MAXQ = 10

    @functools.partial(
        pl.kernel,
        out_type=jax.ShapeDtypeStruct((NC * NPAD,), jnp.float32),
        mesh=_MESH(),
        scratch_types=[
            pltpu.VMEM((PT,), jnp.float32),
            pltpu.VMEM((CH,), jnp.float32),
            pltpu.VMEM((2, LCH * CH), jnp.int32),
            pltpu.VMEM_SHARED((NPAD,), jnp.float32),
            pltpu.SemaphoreType.DMA,
        ],
    )
    def deg_kernel(e_hbm, deg_out, zbuf, ones_v, idx_v, hist, ssem):
        c = lax.axis_index("c")
        s = lax.axis_index("s")
        w = c * NS + s
        cstart = w * BASE + jnp.minimum(w, EXTRA)
        nvalid = BASE + jnp.where(w < EXTRA, 1, 0)
        lstart = jnp.minimum(cstart, TOTCH - LCH)
        r0 = cstart - lstart

        def fill_z(i, _):
            zbuf[pl.ds(i * 16, 16)] = jnp.zeros((16,), jnp.float32)
            return 0

        lax.fori_loop(0, PT // 16, fill_z, 0)
        for j in range(CH // 16):
            ones_v[pl.ds(j * 16, 16)] = jnp.ones((16,), jnp.float32)

        loff = pl.multiple_of(lstart * CH, CH)
        pltpu.async_copy(
            e_hbm.at[:, pl.ds(loff, LCH * CH)], idx_v, ssem
        )
        pltpu.sync_copy(zbuf, hist.at[pl.ds(s * PT, PT)])
        pltpu.make_async_copy(
            e_hbm.at[:, pl.ds(loff, LCH * CH)], idx_v, ssem
        ).wait()
        plsc.subcore_barrier()

        dst_1d = idx_v.at[1]

        def didx(i):
            return dst_1d.at[pl.ds(pl.multiple_of((r0 + i) * CH, CH), CH)]

        def fire(i, _):
            pltpu.async_copy(ones_v, hist.at[didx(i)], ssem, add=True)

            @pl.when(i >= MAXQ)
            def _():
                pltpu.make_async_copy(ones_v, hist.at[didx(i)], ssem).wait()
            return 0

        lax.fori_loop(0, nvalid, fire, 0)

        def drain(i, _):
            pltpu.make_async_copy(ones_v, hist.at[didx(0)], ssem).wait()
            return 0

        lax.fori_loop(0, jnp.minimum(nvalid, MAXQ), drain, 0)
        plsc.subcore_barrier()
        pltpu.sync_copy(
            hist.at[pl.ds(s * PT, PT)],
            deg_out.at[pl.ds(c * NPAD + s * PT, PT)],
        )

    return deg_kernel


def _agg_kernel(N, NPAD, E, D):
    RPT = N // NS
    CNT = ((RPT + 7) // 8) * 8
    NZ, ZREM = RPT // CH, RPT % CH
    TOTCH = E // CH
    JPT = ((TOTCH + NW - 1) // NW + 3) // 4 * 4
    assert JPT % 4 == 0

    @functools.partial(
        pl.kernel,
        out_type=jax.ShapeDtypeStruct((NC * NPAD, D), jnp.float32),
        mesh=_MESH(),
        scratch_types=[
            pltpu.VMEM((2, CH), jnp.int32),
            pltpu.VMEM((2, CH), jnp.int32),
            pltpu.VMEM((2, CH), jnp.int32),
            pltpu.VMEM((2, CH), jnp.int32),
            pltpu.VMEM((CH, D), jnp.float32),
            pltpu.VMEM((CH, D), jnp.float32),
            pltpu.VMEM_SHARED((N, D), jnp.float32),
            pltpu.SemaphoreType.DMA,
            pltpu.SemaphoreType.DMA,
            pltpu.SemaphoreType.DMA,
            pltpu.SemaphoreType.DMA,
            pltpu.SemaphoreType.DMA,
            pltpu.SemaphoreType.DMA,
        ],
    )
    def agg_kernel(g_hbm, e_hbm, s_out, i0, i1, i2, i3, r0, r1, acc,
                   im0, im1, im2, im3, gm0, gm1):
        c = lax.axis_index("c")
        s = lax.axis_index("s")
        w = c * NS + s
        ibufs = (i0, i1, i2, i3)
        isems = (im0, im1, im2, im3)
        rows = (r0, r1)
        gsems = (gm0, gm1)
        nvalid = (TOTCH - w + NW - 1) // NW

        def off(j):
            cid = jnp.minimum(j * NW + w, TOTCH - 1)
            return pl.multiple_of(cid * CH, CH)

        def idx_load(j, q):
            pltpu.async_copy(
                e_hbm.at[:, pl.ds(off(j), CH)], ibufs[q], isems[q]
            )

        def idx_wait(j, q):
            pltpu.make_async_copy(
                e_hbm.at[:, pl.ds(off(j), CH)], ibufs[q], isems[q]
            ).wait()

        def gather(j, q, rb):
            pltpu.async_copy(g_hbm.at[ibufs[q].at[0]], rows[rb], gsems[rb])

        def gather_wait(j, q, rb):
            pltpu.make_async_copy(
                g_hbm.at[ibufs[q].at[0]], rows[rb], gsems[rb]
            ).wait()

        def scatter(j, q, rb):
            @pl.when(j < nvalid)
            def _():
                pltpu.sync_copy(rows[rb], acc.at[ibufs[q].at[1]], add=True)

        for q in range(4):
            idx_load(q, q)

        def fill_z(i, _):
            for jj in range(D // 16):
                r0[i, pl.ds(jj * 16, 16)] = jnp.zeros((16,), jnp.float32)
            return 0

        lax.fori_loop(0, CH, fill_z, 0)
        row0 = s * RPT
        for k in range(NZ):
            pltpu.sync_copy(r0, acc.at[pl.ds(row0 + k * CH, CH)])
        if ZREM:
            pltpu.sync_copy(
                r0.at[pl.ds(0, ZREM)], acc.at[pl.ds(row0 + NZ * CH, ZREM)]
            )
        plsc.subcore_barrier()

        for q in range(2):
            idx_wait(q, q)
            gather(q, q, q)

        def body(gi, _):
            for q in range(4):
                j = gi * 4 + q
                rb = q % 2
                gather_wait(j, q, rb)
                scatter(j, q, rb)
                idx_load(j + 4, q)
                idx_wait(j + 2, (q + 2) % 4)
                gather(j + 2, (q + 2) % 4, rb)
            return 0

        lax.fori_loop(0, JPT // 4 - 1, body, 0)

        for q in range(4):
            j = JPT - 4 + q
            rb = q % 2
            gather_wait(j, q, rb)
            scatter(j, q, rb)
            if q < 2:
                idx_wait(j + 2, (q + 2) % 4)
                gather(j + 2, (q + 2) % 4, rb)

        plsc.subcore_barrier()

        bs = pl.multiple_of((s * RPT // 8) * 8, 8)
        bs = jnp.minimum(bs, N - CNT)
        pltpu.sync_copy(
            acc.at[pl.ds(bs, CNT)], s_out.at[pl.ds(c * NPAD + bs, CNT)]
        )

    return agg_kernel


def _dinv_col(deg_ref):
    d = deg_ref[0:1, :] + deg_ref[1:2, :] + 1.0
    return jnp.transpose(lax.rsqrt(d), (1, 0))


def _g_body(x_ref, w_ref, deg_ref, g_ref):
    h = lax.dot_general(
        x_ref[...], w_ref[...], (((1,), (1,)), ((), ())),
        preferred_element_type=jnp.float32,
    )
    g_ref[...] = _dinv_col(deg_ref) * h


def _fin_body(s0_ref, s1_ref, g_ref, deg_ref, b_ref, a_ref, o_ref):
    t = s0_ref[...] + s1_ref[...] + g_ref[...]
    t = _dinv_col(deg_ref) * t + b_ref[...]
    o_ref[...] = jnp.where(t >= 0.0, t, a_ref[0, 0] * t)


def kernel(x, edge_index, W, b, a):
    N, D = x.shape
    E = edge_index.shape[1]
    NPAD = ((N + NS * 16 - 1) // (NS * 16)) * (NS * 16)

    deg_flat = _deg_kernel(E, NPAD)(edge_index)
    deg2 = deg_flat.reshape(NC, NPAD)

    RB = 2048
    nb = NPAD // RB
    g = pl.pallas_call(
        _g_body,
        grid=(nb,),
        in_specs=[
            pl.BlockSpec((RB, D), lambda i: (i, 0)),
            pl.BlockSpec((D, D), lambda i: (0, 0)),
            pl.BlockSpec((NC, RB), lambda i: (0, i)),
        ],
        out_specs=pl.BlockSpec((RB, D), lambda i: (i, 0)),
        out_shape=jax.ShapeDtypeStruct((NPAD, D), jnp.float32),
    )(x, W, deg2)

    s_flat = _agg_kernel(N, NPAD, E, D)(g, edge_index)

    out = pl.pallas_call(
        _fin_body,
        grid=(nb,),
        in_specs=[
            pl.BlockSpec((RB, D), lambda i: (i, 0)),
            pl.BlockSpec((RB, D), lambda i, nb=nb: (i + nb, 0)),
            pl.BlockSpec((RB, D), lambda i: (i, 0)),
            pl.BlockSpec((NC, RB), lambda i: (0, i)),
            pl.BlockSpec((1, D), lambda i: (0, 0)),
            pl.BlockSpec((1, 1), lambda i: (0, 0)),
        ],
        out_specs=pl.BlockSpec((RB, D), lambda i: (i, 0)),
        out_shape=jax.ShapeDtypeStruct((N, D), jnp.float32),
    )(s_flat, s_flat, g, deg2, jnp.reshape(b, (1, D)), jnp.reshape(a, (1, 1)))
    return out

# --- scband reference (transcript-rebuilt; emitter-appended) ---
"""Pipeline reference for scband-gcn-28252294873753 (READ-ONLY COPY).

The authoritative reference and input builder live on the scoring server;
editing this copy changes nothing except your own understanding.
"""

import jax, jax.numpy as jnp
import numpy as np

N = 10000
E = 320000
D = 128


def setup_inputs(seed: int = 0) -> dict:
    key = jax.random.key(seed)
    k1, k2, k3, k4 = jax.random.split(key, 4)
    x = jax.random.normal(k1, (N, D), dtype=jnp.float32)
    edge_index = jax.random.randint(k2, (2, E), 0, N, dtype=jnp.int32)
    # GCNConv lin weight [out_dim, in_dim] (PyG convention: h = x @ W.T), glorot-ish init
    W = jax.random.normal(k3, (D, D), dtype=jnp.float32) * (1.0 / np.sqrt(D))
    b = jnp.zeros((D,), dtype=jnp.float32)
    # PReLU single learned parameter, init 0.25
    a = jnp.full((1,), 0.25, dtype=jnp.float32)
    return {"x": x, "edge_index": edge_index, "W": W, "b": b, "a": a}


def reference(x, edge_index, W, b, a):
    # Faithful GCN forward: x is detached in the torch module (no effect on fwd).
    num_nodes = x.shape[0]
    src = edge_index[0]
    dst = edge_index[1]
    # add self loops (PyG GCNConv default add_self_loops=True)
    loop = jnp.arange(num_nodes, dtype=src.dtype)
    src = jnp.concatenate([src, loop])
    dst = jnp.concatenate([dst, loop])
    # linear transform
    h = x @ W.T
    # symmetric normalization: deg^-1/2 (A+I) deg^-1/2
    ones = jnp.ones(src.shape[0], dtype=h.dtype)
    deg = jax.ops.segment_sum(ones, dst, num_segments=num_nodes)
    dinv = jnp.where(deg > 0, 1.0 / jnp.sqrt(deg), 0.0)
    norm = dinv[src] * dinv[dst]
    # gather messages, scale, scatter-add to destinations
    msg = h[src] * norm[:, None]
    out = jax.ops.segment_sum(msg, dst, num_segments=num_nodes) + b
    # Identity layer, then PReLU activation
    out = jnp.where(out >= 0, out, a * out)
    return out

if __name__ == "__main__":
    import jax
    _d = setup_inputs()
    print(jax.jit(kernel)(*tuple(_d.values())))

</pallas_src>

<mosaic_0001>
#map = affine_map<(d0, d1) -> (0, 0)>
module attributes {stable_mosaic.version = 14 : i64} {
  func.func @agg_kernel(%arg0: i32, %arg1: i32, %arg2: memref<10240x128xf32, #tpu.memory_space<hbm>>, %arg3: memref<2x320000xi32, #tpu.memory_space<hbm>>, %arg4: memref<20480x128xf32, #tpu.memory_space<hbm>>, %arg5: memref<2x128xi32, #tpu.memory_space<vmem>>, %arg6: memref<2x128xi32, #tpu.memory_space<vmem>>, %arg7: memref<2x128xi32, #tpu.memory_space<vmem>>, %arg8: memref<2x128xi32, #tpu.memory_space<vmem>>, %arg9: memref<128x128xf32, #tpu.memory_space<vmem>>, %arg10: memref<128x128xf32, #tpu.memory_space<vmem>>, %arg11: memref<10000x128xf32, #tpu.memory_space<vmem_shared>>, %arg12: memref<!tpu.dma_semaphore, #tpu.memory_space<semaphore_mem>>, %arg13: memref<!tpu.dma_semaphore, #tpu.memory_space<semaphore_mem>>, %arg14: memref<!tpu.dma_semaphore, #tpu.memory_space<semaphore_mem>>, %arg15: memref<!tpu.dma_semaphore, #tpu.memory_space<semaphore_mem>>, %arg16: memref<!tpu.dma_semaphore, #tpu.memory_space<semaphore_mem>>, %arg17: memref<!tpu.dma_semaphore, #tpu.memory_space<semaphore_mem>>) attributes {dimension_semantics = [#tpu.dimension_semantics<core_parallel>, #tpu.dimension_semantics<subcore_parallel>], iteration_bounds = array<i64: 2, 16>, scalar_prefetch = 0 : i64, scratch_operands = 13 : i64, tpu.core_type = #tpu.core_type<sc_vector_subcore>, window_params = [{transform_indices = #map}, {transform_indices = #map}, {transform_indices = #map}]} {
    %mul3A = arith.constant 16 : i32
    %mul3A_0 = arith.muli %arg0, %mul3A : i32
    %add3A = arith.addi %mul3A_0, %arg1 : i32
    %sub3A = arith.constant 2500 : i32
    %sub3A_1 = arith.subi %sub3A, %add3A : i32
    %add3A_2 = arith.constant 32 : i32
    %add3A_3 = arith.addi %sub3A_1, %add3A_2 : i32
    %sub3A_4 = arith.constant 1 : i32
    %sub3A_5 = arith.subi %add3A_3, %sub3A_4 : i32
    %jit3A = arith.constant 32 : i32
    %div3A = arith.divsi %sub3A_5, %jit3A : i32
    %sign3A = arith.constant 0 : i32
    %sign3A_6 = arith.cmpi sgt, %sub3A_5, %sign3A : i32
    %sign3A_7 = arith.extui %sign3A_6 : i1 to i32
    %sign3A_8 = arith.constant 0 : i32
    %sign3A_9 = arith.cmpi slt, %sub3A_5, %sign3A_8 : i32
    %sign3A_10 = arith.extui %sign3A_9 : i1 to i32
    %sign3A_11 = arith.subi %sign3A_7, %sign3A_10 : i32
    %sign3A_12 = arith.constant 0 : i32
    %sign3A_13 = arith.cmpi sgt, %jit3A, %sign3A_12 : i32
    %sign3A_14 = arith.extui %sign3A_13 : i1 to i32
    %sign3A_15 = arith.constant 0 : i32
    %sign3A_16 = arith.cmpi slt, %jit3A, %sign3A_15 : i32
    %sign3A_17 = arith.extui %sign3A_16 : i1 to i32
    %sign3A_18 = arith.subi %sign3A_14, %sign3A_17 : i32
    %ne3A = arith.cmpi ne, %sign3A_11, %sign3A_18 : i32
    %rem3A = arith.remsi %sub3A_5, %jit3A : i32
    %ne3A_19 = arith.constant 0 : i32
    %ne3A_20 = arith.cmpi ne, %rem3A, %ne3A_19 : i32
    %and3A = arith.andi %ne3A, %ne3A_20 : i1
    %sub3A_21 = arith.constant 1 : i32
    %sub3A_22 = arith.subi %div3A, %sub3A_21 : i32
    %select_n3A = arith.select %and3A, %sub3A_22, %div3A : i32
    %add3A_23 = arith.constant 0 : i32
    %add3A_24 = arith.addi %add3A_23, %add3A : i32
    %min3A = arith.constant 2499 : i32
    %min3A_25 = arith.minsi %add3A_24, %min3A : i32
    %mul3A_26 = arith.constant 128 : i32
    %mul3A_27 = arith.muli %min3A_25, %mul3A_26 : i32
    %multiple_of3A = tpu.assume_multiple %mul3A_27, 128 : i32
    %dma_start3A = arith.constant 0 : i32
    %dma_start3A_28 = tpu.memref_slice %arg3[%dma_start3A, %multiple_of3A] : memref<2x320000xi32, #tpu.memory_space<hbm>> -> memref<2x128xi32, #tpu.memory_space<hbm>>
    %dma_start3A_29 = arith.constant 0 : i32
    %dma_start3A_30 = tpu.memref_slice %arg3[%dma_start3A_29, %multiple_of3A] : memref<2x320000xi32, #tpu.memory_space<hbm>> -> memref<2x128xi32, #tpu.memory_space<hbm>>
    tpu.enqueue_dma source(%dma_start3A_30 : memref<2x128xi32, #tpu.memory_space<hbm>>) target(%arg5 : memref<2x128xi32, #tpu.memory_space<vmem>>) target_semaphore(%arg12 : memref<!tpu.dma_semaphore, #tpu.memory_space<semaphore_mem>>)
    %add3A_31 = arith.constant 32 : i32
    %add3A_32 = arith.addi %add3A_31, %add3A : i32
    %min3A_33 = arith.constant 2499 : i32
    %min3A_34 = arith.minsi %add3A_32, %min3A_33 : i32
    %mul3A_35 = arith.constant 128 : i32
    %mul3A_36 = arith.muli %min3A_34, %mul3A_35 : i32
    %multiple_of3A_37 = tpu.assume_multiple %mul3A_36, 128 : i32
    %dma_start3A_38 = arith.constant 0 : i32
    %dma_start3A_39 = tpu.memref_slice %arg3[%dma_start3A_38, %multiple_of3A_37] : memref<2x320000xi32, #tpu.memory_space<hbm>> -> memref<2x128xi32, #tpu.memory_space<hbm>>
    %dma_start3A_40 = arith.constant 0 : i32
    %dma_start3A_41 = tpu.memref_slice %arg3[%dma_start3A_40, %multiple_of3A_37] : memref<2x320000xi32, #tpu.memory_space<hbm>> -> memref<2x128xi32, #tpu.memory_space<hbm>>
    tpu.enqueue_dma source(%dma_start3A_41 : memref<2x128xi32, #tpu.memory_space<hbm>>) target(%arg6 : memref<2x128xi32, #tpu.memory_space<vmem>>) target_semaphore(%arg13 : memref<!tpu.dma_semaphore, #tpu.memory_space<semaphore_mem>>)
    %add3A_42 = arith.constant 64 : i32
    %add3A_43 = arith.addi %add3A_42, %add3A : i32
    %min3A_44 = arith.constant 2499 : i32
    %min3A_45 = arith.minsi %add3A_43, %min3A_44 : i32
    %mul3A_46 = arith.constant 128 : i32
    %mul3A_47 = arith.muli %min3A_45, %mul3A_46 : i32
    %multiple_of3A_48 = tpu.assume_multiple %mul3A_47, 128 : i32
    %dma_start3A_49 = arith.constant 0 : i32
    %dma_start3A_50 = tpu.memref_slice %arg3[%dma_start3A_49, %multiple_of3A_48] : memref<2x320000xi32, #tpu.memory_space<hbm>> -> memref<2x128xi32, #tpu.memory_space<hbm>>
    %dma_start3A_51 = arith.constant 0 : i32
    %dma_start3A_52 = tpu.memref_slice %arg3[%dma_start3A_51, %multiple_of3A_48] : memref<2x320000xi32, #tpu.memory_space<hbm>> -> memref<2x128xi32, #tpu.memory_space<hbm>>
    tpu.enqueue_dma source(%dma_start3A_52 : memref<2x128xi32, #tpu.memory_space<hbm>>) target(%arg7 : memref<2x128xi32, #tpu.memory_space<vmem>>) target_semaphore(%arg14 : memref<!tpu.dma_semaphore, #tpu.memory_space<semaphore_mem>>)
    %add3A_53 = arith.constant 96 : i32
    %add3A_54 = arith.addi %add3A_53, %add3A : i32
    %min3A_55 = arith.constant 2499 : i32
    %min3A_56 = arith.minsi %add3A_54, %min3A_55 : i32
    %mul3A_57 = arith.constant 128 : i32
    %mul3A_58 = arith.muli %min3A_56, %mul3A_57 : i32
    %multiple_of3A_59 = tpu.assume_multiple %mul3A_58, 128 : i32
    %dma_start3A_60 = arith.constant 0 : i32
    %dma_start3A_61 = tpu.memref_slice %arg3[%dma_start3A_60, %multiple_of3A_59] : memref<2x320000xi32, #tpu.memory_space<hbm>> -> memref<2x128xi32, #tpu.memory_space<hbm>>
    %dma_start3A_62 = arith.constant 0 : i32
    %dma_start3A_63 = tpu.memref_slice %arg3[%dma_start3A_62, %multiple_of3A_59] : memref<2x320000xi32, #tpu.memory_space<hbm>> -> memref<2x128xi32, #tpu.memory_space<hbm>>
    tpu.enqueue_dma source(%dma_start3A_63 : memref<2x128xi32, #tpu.memory_space<hbm>>) target(%arg8 : memref<2x128xi32, #tpu.memory_space<vmem>>) target_semaphore(%arg15 : memref<!tpu.dma_semaphore, #tpu.memory_space<semaphore_mem>>)
    %scan3A = arith.constant 0 : i32
    %scan3A_64 = arith.constant 0 : i32
    %scan3A_65 = arith.constant 128 : i32
    %scan3A_66 = arith.addi %scan3A_64, %scan3A_65 : i32
    %scan3A_67 = arith.constant 1 : i32
    %scan3A_68 = scf.for %scan3A_240 = %scan3A_64 to %scan3A_66 step %scan3A_67 iter_args(%scan3A_241 = %scan3A) -> (i32)  : i32 {
      %broadcast_in_dim3A = arith.constant 0.000000e+00 : f32
      %broadcast_in_dim3A_242 = vector.broadcast %broadcast_in_dim3A : f32 to vector<16xf32>
      %swap3A = arith.index_cast %scan3A_240 : i32 to index
      %swap3A_243 = arith.constant 0 : index
      %swap3A_244 = tpu.vector_load %arg9[%swap3A, %swap3A_243] {strides = array<i32>} : memref<128x128xf32, #tpu.memory_space<vmem>>, vector<1x16xf32>,
      %swap3A_245 = vector.shape_cast %swap3A_244 : vector<1x16xf32> to vector<16xf32>
      %swap3A_246 = vector.shape_cast %broadcast_in_dim3A_242 : vector<16xf32> to vector<1x16xf32>
      tpu.vector_store %arg9[%swap3A, %swap3A_243], %swap3A_246 {strides = array<i32>} : memref<128x128xf32, #tpu.memory_space<vmem>>, vector<1x16xf32>,
      %broadcast_in_dim3A_247 = arith.constant 0.000000e+00 : f32
      %broadcast_in_dim3A_248 = vector.broadcast %broadcast_in_dim3A_247 : f32 to vector<16xf32>
      %swap3A_249 = arith.index_cast %scan3A_240 : i32 to index
      %swap3A_250 = arith.constant 16 : index
      %swap3A_251 = tpu.vector_load %arg9[%swap3A_249, %swap3A_250] {strides = array<i32>} : memref<128x128xf32, #tpu.memory_space<vmem>>, vector<1x16xf32>,
      %swap3A_252 = vector.shape_cast %swap3A_251 : vector<1x16xf32> to vector<16xf32>
      %swap3A_253 = vector.shape_cast %broadcast_in_dim3A_248 : vector<16xf32> to vector<1x16xf32>
      tpu.vector_store %arg9[%swap3A_249, %swap3A_250], %swap3A_253 {strides = array<i32>} : memref<128x128xf32, #tpu.memory_space<vmem>>, vector<1x16xf32>,
      %broadcast_in_dim3A_254 = arith.constant 0.000000e+00 : f32
      %broadcast_in_dim3A_255 = vector.broadcast %broadcast_in_dim3A_254 : f32 to vector<16xf32>
      %swap3A_256 = arith.index_cast %scan3A_240 : i32 to index
      %swap3A_257 = arith.constant 32 : index
      %swap3A_258 = tpu.vector_load %arg9[%swap3A_256, %swap3A_257] {strides = array<i32>} : memref<128x128xf32, #tpu.memory_space<vmem>>, vector<1x16xf32>,
      %swap3A_259 = vector.shape_cast %swap3A_258 : vector<1x16xf32> to vector<16xf32>
      %swap3A_260 = vector.shape_cast %broadcast_in_dim3A_255 : vector<16xf32> to vector<1x16xf32>
      tpu.vector_store %arg9[%swap3A_256, %swap3A_257], %swap3A_260 {strides = array<i32>} : memref<128x128xf32, #tpu.memory_space<vmem>>, vector<1x16xf32>,
      %broadcast_in_dim3A_261 = arith.constant 0.000000e+00 : f32
      %broadcast_in_dim3A_262 = vector.broadcast %broadcast_in_dim3A_261 : f32 to vector<16xf32>
      %swap3A_263 = arith.index_cast %scan3A_240 : i32 to index
      %swap3A_264 = arith.constant 48 : index
      %swap3A_265 = tpu.vector_load %arg9[%swap3A_263, %swap3A_264] {strides = array<i32>} : memref<128x128xf32, #tpu.memory_space<vmem>>, vector<1x16xf32>,
      %swap3A_266 = vector.shape_cast %swap3A_265 : vector<1x16xf32> to vector<16xf32>
      %swap3A_267 = vector.shape_cast %broadcast_in_dim3A_262 : vector<16xf32> to vector<1x16xf32>
      tpu.vector_store %arg9[%swap3A_263, %swap3A_264], %swap3A_267 {strides = array<i32>} : memref<128x128xf32, #tpu.memory_space<vmem>>, vector<1x16xf32>,
      %broadcast_in_dim3A_268 = arith.constant 0.000000e+00 : f32
      %broadcast_in_dim3A_269 = vector.broadcast %broadcast_in_dim3A_268 : f32 to vector<16xf32>
      %swap3A_270 = arith.index_cast %scan3A_240 : i32 to index
      %swap3A_271 = arith.constant 64 : index
      %swap3A_272 = tpu.vector_load %arg9[%swap3A_270, %swap3A_271] {strides = array<i32>} : memref<128x128xf32, #tpu.memory_space<vmem>>, vector<1x16xf32>,
      %swap3A_273 = vector.shape_cast %swap3A_272 : vector<1x16xf32> to vector<16xf32>
      %swap3A_274 = vector.shape_cast %broadcast_in_dim3A_269 : vector<16xf32> to vector<1x16xf32>
      tpu.vector_store %arg9[%swap3A_270, %swap3A_271], %swap3A_274 {strides = array<i32>} : memref<128x128xf32, #tpu.memory_space<vmem>>, vector<1x16xf32>,
      %broadcast_in_dim3A_275 = arith.constant 0.000000e+00 : f32
      %broadcast_in_dim3A_276 = vector.broadcast %broadcast_in_dim3A_275 : f32 to vector<16xf32>
      %swap3A_277 = arith.index_cast %scan3A_240 : i32 to index
      %swap3A_278 = arith.constant 80 : index
      %swap3A_279 = tpu.vector_load %arg9[%swap3A_277, %swap3A_278] {strides = array<i32>} : memref<128x128xf32, #tpu.memory_space<vmem>>, vector<1x16xf32>,
      %swap3A_280 = vector.shape_cast %swap3A_279 : vector<1x16xf32> to vector<16xf32>
      %swap3A_281 = vector.shape_cast %broadcast_in_dim3A_276 : vector<16xf32> to vector<1x16xf32>
      tpu.vector_store %arg9[%swap3A_277, %swap3A_278], %swap3A_281 {strides = array<i32>} : memref<128x128xf32, #tpu.memory_space<vmem>>, vector<1x16xf32>,
      %broadcast_in_dim3A_282 = arith.constant 0.000000e+00 : f32
      %broadcast_in_dim3A_283 = vector.broadcast %broadcast_in_dim3A_282 : f32 to vector<16xf32>
      %swap3A_284 = arith.index_cast %scan3A_240 : i32 to index
      %swap3A_285 = arith.constant 96 : index
      %swap3A_286 = tpu.vector_load %arg9[%swap3A_284, %swap3A_285] {strides = array<i32>} : memref<128x128xf32, #tpu.memory_space<vmem>>, vector<1x16xf32>,
      %swap3A_287 = vector.shape_cast %swap3A_286 : vector<1x16xf32> to vector<16xf32>
      %swap3A_288 = vector.shape_cast %broadcast_in_dim3A_283 : vector<16xf32> to vector<1x16xf32>
      tpu.vector_store %arg9[%swap3A_284, %swap3A_285], %swap3A_288 {strides = array<i32>} : memref<128x128xf32, #tpu.memory_space<vmem>>, vector<1x16xf32>,
      %broadcast_in_dim3A_289 = arith.constant 0.000000e+00 : f32
      %broadcast_in_dim3A_290 = vector.broadcast %broadcast_in_dim3A_289 : f32 to vector<16xf32>
      %swap3A_291 = arith.index_cast %scan3A_240 : i32 to index
      %swap3A_292 = arith.constant 112 : index
      %swap3A_293 = tpu.vector_load %arg9[%swap3A_291, %swap3A_292] {strides = array<i32>} : memref<128x128xf32, #tpu.memory_space<vmem>>, vector<1x16xf32>,
      %swap3A_294 = vector.shape_cast %swap3A_293 : vector<1x16xf32> to vector<16xf32>
      %swap3A_295 = vector.shape_cast %broadcast_in_dim3A_290 : vector<16xf32> to vector<1x16xf32>
      tpu.vector_store %arg9[%swap3A_291, %swap3A_292], %swap3A_295 {strides = array<i32>} : memref<128x128xf32, #tpu.memory_space<vmem>>, vector<1x16xf32>,
      %scan3A_296 = arith.constant 0 : i32
      scf.yield %scan3A_296 : i32
    }
    %scan3A_69 = arith.constant 128 : i32
    %mul3A_70 = arith.constant 625 : i32
    %mul3A_71 = arith.muli %arg1, %mul3A_70 : i32
    %add3A_72 = arith.constant 0 : i32
    %add3A_73 = arith.addi %mul3A_71, %add3A_72 : i32
    "tpu.region"() ({
      %run_scoped3A = tpu.sem_alloc : memref<!tpu.dma_semaphore, #tpu.memory_space<semaphore_mem>>
      %dma_start3A_240 = arith.constant 0 : i32
      %dma_start3A_241 = tpu.memref_slice %arg11[%add3A_73, %dma_start3A_240] : memref<10000x128xf32, #tpu.memory_space<vmem_shared>> -> memref<128x128xf32, #tpu.memory_space<vmem_shared>>
      %dma_start3A_242 = arith.constant 0 : i32
      %dma_start3A_243 = tpu.memref_slice %arg11[%add3A_73, %dma_start3A_242] : memref<10000x128xf32, #tpu.memory_space<vmem_shared>> -> memref<128x128xf32, #tpu.memory_space<vmem_shared>>
      tpu.enqueue_dma source(%arg9 : memref<128x128xf32, #tpu.memory_space<vmem>>) target(%dma_start3A_243 : memref<128x128xf32, #tpu.memory_space<vmem_shared>>) target_semaphore(%run_scoped3A : memref<!tpu.dma_semaphore, #tpu.memory_space<semaphore_mem>>)
      %dma_wait3A_244 = arith.constant 0 : i32
      %dma_wait3A_245 = tpu.memref_slice %arg11[%add3A_73, %dma_wait3A_244] : memref<10000x128xf32, #tpu.memory_space<vmem_shared>> -> memref<128x128xf32, #tpu.memory_space<vmem_shared>>
      %dma_wait3A_246 = arith.constant 0 : i32
      %dma_wait3A_247 = tpu.memref_slice %arg11[%add3A_73, %dma_wait3A_246] : memref<10000x128xf32, #tpu.memory_space<vmem_shared>> -> memref<128x128xf32, #tpu.memory_space<vmem_shared>>
      tpu.wait_dma2 semaphore(%run_scoped3A : memref<!tpu.dma_semaphore, #tpu.memory_space<semaphore_mem>>) src(%arg9 : memref<128x128xf32, #tpu.memory_space<vmem>>) dst(%dma_wait3A_247 : memref<128x128xf32, #tpu.memory_space<vmem_shared>>)
      tpu.yield
    }) : () -> ()
    %add3A_74 = arith.constant 128 : i32
    %add3A_75 = arith.addi %mul3A_71, %add3A_74 : i32
    "tpu.region"() ({
      %run_scoped3A = tpu.sem_alloc : memref<!tpu.dma_semaphore, #tpu.memory_space<semaphore_mem>>
      %dma_start3A_240 = arith.constant 0 : i32
      %dma_start3A_241 = tpu.memref_slice %arg11[%add3A_75, %dma_start3A_240] : memref<10000x128xf32, #tpu.memory_space<vmem_shared>> -> memref<128x128xf32, #tpu.memory_space<vmem_shared>>
      %dma_start3A_242 = arith.constant 0 : i32
      %dma_start3A_243 = tpu.memref_slice %arg11[%add3A_75, %dma_start3A_242] : memref<10000x128xf32, #tpu.memory_space<vmem_shared>> -> memref<128x128xf32, #tpu.memory_space<vmem_shared>>
      tpu.enqueue_dma source(%arg9 : memref<128x128xf32, #tpu.memory_space<vmem>>) target(%dma_start3A_243 : memref<128x128xf32, #tpu.memory_space<vmem_shared>>) target_semaphore(%run_scoped3A : memref<!tpu.dma_semaphore, #tpu.memory_space<semaphore_mem>>)
      %dma_wait3A_244 = arith.constant 0 : i32
      %dma_wait3A_245 = tpu.memref_slice %arg11[%add3A_75, %dma_wait3A_244] : memref<10000x128xf32, #tpu.memory_space<vmem_shared>> -> memref<128x128xf32, #tpu.memory_space<vmem_shared>>
      %dma_wait3A_246 = arith.constant 0 : i32
      %dma_wait3A_247 = tpu.memref_slice %arg11[%add3A_75, %dma_wait3A_246] : memref<10000x128xf32, #tpu.memory_space<vmem_shared>> -> memref<128x128xf32, #tpu.memory_space<vmem_shared>>
      tpu.wait_dma2 semaphore(%run_scoped3A : memref<!tpu.dma_semaphore, #tpu.memory_space<semaphore_mem>>) src(%arg9 : memref<128x128xf32, #tpu.memory_space<vmem>>) dst(%dma_wait3A_247 : memref<128x128xf32, #tpu.memory_space<vmem_shared>>)
      tpu.yield
    }) : () -> ()
    %add3A_76 = arith.constant 256 : i32
    %add3A_77 = arith.addi %mul3A_71, %add3A_76 : i32
    "tpu.region"() ({
      %run_scoped3A = tpu.sem_alloc : memref<!tpu.dma_semaphore, #tpu.memory_space<semaphore_mem>>
      %dma_start3A_240 = arith.constant 0 : i32
      %dma_start3A_241 = tpu.memref_slice %arg11[%add3A_77, %dma_start3A_240] : memref<10000x128xf32, #tpu.memory_space<vmem_shared>> -> memref<128x128xf32, #tpu.memory_space<vmem_shared>>
      %dma_start3A_242 = arith.constant 0 : i32
      %dma_start3A_243 = tpu.memref_slice %arg11[%add3A_77, %dma_start3A_242] : memref<10000x128xf32, #tpu.memory_space<vmem_shared>> -> memref<128x128xf32, #tpu.memory_space<vmem_shared>>
      tpu.enqueue_dma source(%arg9 : memref<128x128xf32, #tpu.memory_space<vmem>>) target(%dma_start3A_243 : memref<128x128xf32, #tpu.memory_space<vmem_shared>>) target_semaphore(%run_scoped3A : memref<!tpu.dma_semaphore, #tpu.memory_space<semaphore_mem>>)
      %dma_wait3A_244 = arith.constant 0 : i32
      %dma_wait3A_245 = tpu.memref_slice %arg11[%add3A_77, %dma_wait3A_244] : memref<10000x128xf32, #tpu.memory_space<vmem_shared>> -> memref<128x128xf32, #tpu.memory_space<vmem_shared>>
      %dma_wait3A_246 = arith.constant 0 : i32
      %dma_wait3A_247 = tpu.memref_slice %arg11[%add3A_77, %dma_wait3A_246] : memref<10000x128xf32, #tpu.memory_space<vmem_shared>> -> memref<128x128xf32, #tpu.memory_space<vmem_shared>>
      tpu.wait_dma2 semaphore(%run_scoped3A : memref<!tpu.dma_semaphore, #tpu.memory_space<semaphore_mem>>) src(%arg9 : memref<128x128xf32, #tpu.memory_space<vmem>>) dst(%dma_wait3A_247 : memref<128x128xf32, #tpu.memory_space<vmem_shared>>)
      tpu.yield
    }) : () -> ()
    %add3A_78 = arith.constant 384 : i32
    %add3A_79 = arith.addi %mul3A_71, %add3A_78 : i32
    "tpu.region"() ({
      %run_scoped3A = tpu.sem_alloc : memref<!tpu.dma_semaphore, #tpu.memory_space<semaphore_mem>>
      %dma_start3A_240 = arith.constant 0 : i32
      %dma_start3A_241 = tpu.memref_slice %arg11[%add3A_79, %dma_start3A_240] : memref<10000x128xf32, #tpu.memory_space<vmem_shared>> -> memref<128x128xf32, #tpu.memory_space<vmem_shared>>
      %dma_start3A_242 = arith.constant 0 : i32
      %dma_start3A_243 = tpu.memref_slice %arg11[%add3A_79, %dma_start3A_242] : memref<10000x128xf32, #tpu.memory_space<vmem_shared>> -> memref<128x128xf32, #tpu.memory_space<vmem_shared>>
      tpu.enqueue_dma source(%arg9 : memref<128x128xf32, #tpu.memory_space<vmem>>) target(%dma_start3A_243 : memref<128x128xf32, #tpu.memory_space<vmem_shared>>) target_semaphore(%run_scoped3A : memref<!tpu.dma_semaphore, #tpu.memory_space<semaphore_mem>>)
      %dma_wait3A_244 = arith.constant 0 : i32
      %dma_wait3A_245 = tpu.memref_slice %arg11[%add3A_79, %dma_wait3A_244] : memref<10000x128xf32, #tpu.memory_space<vmem_shared>> -> memref<128x128xf32, #tpu.memory_space<vmem_shared>>
      %dma_wait3A_246 = arith.constant 0 : i32
      %dma_wait3A_247 = tpu.memref_slice %arg11[%add3A_79, %dma_wait3A_246] : memref<10000x128xf32, #tpu.memory_space<vmem_shared>> -> memref<128x128xf32, #tpu.memory_space<vmem_shared>>
      tpu.wait_dma2 semaphore(%run_scoped3A : memref<!tpu.dma_semaphore, #tpu.memory_space<semaphore_mem>>) src(%arg9 : memref<128x128xf32, #tpu.memory_space<vmem>>) dst(%dma_wait3A_247 : memref<128x128xf32, #tpu.memory_space<vmem_shared>>)
      tpu.yield
    }) : () -> ()
    %add3A_80 = arith.constant 512 : i32
    %add3A_81 = arith.addi %mul3A_71, %add3A_80 : i32
    "tpu.region"() ({
      %run_scoped3A = tpu.sem_alloc : memref<!tpu.dma_semaphore, #tpu.memory_space<semaphore_mem>>
      %dma_start3A_240 = arith.constant 0 : i32
      %dma_start3A_241 = arith.constant 0 : i32
      %dma_start3A_242 = tpu.memref_slice %arg9[%dma_start3A_240, %dma_start3A_241] : memref<128x128xf32, #tpu.memory_space<vmem>> -> memref<113x128xf32, #tpu.memory_space<vmem>>
      %dma_start3A_243 = arith.constant 0 : i32
      %dma_start3A_244 = tpu.memref_slice %arg11[%add3A_81, %dma_start3A_243] : memref<10000x128xf32, #tpu.memory_space<vmem_shared>> -> memref<113x128xf32, #tpu.memory_space<vmem_shared>>
      %dma_start3A_245 = arith.constant 0 : i32
      %dma_start3A_246 = tpu.memref_slice %arg11[%add3A_81, %dma_start3A_245] : memref<10000x128xf32, #tpu.memory_space<vmem_shared>> -> memref<113x128xf32, #tpu.memory_space<vmem_shared>>
      %dma_start3A_247 = arith.constant 0 : i32
      %dma_start3A_248 = arith.constant 0 : i32
      %dma_start3A_249 = tpu.memref_slice %arg9[%dma_start3A_247, %dma_start3A_248] : memref<128x128xf32, #tpu.memory_space<vmem>> -> memref<113x128xf32, #tpu.memory_space<vmem>>
      tpu.enqueue_dma source(%dma_start3A_249 : memref<113x128xf32, #tpu.memory_space<vmem>>) target(%dma_start3A_246 : memref<113x128xf32, #tpu.memory_space<vmem_shared>>) target_semaphore(%run_scoped3A : memref<!tpu.dma_semaphore, #tpu.memory_space<semaphore_mem>>)
      %dma_wait3A_250 = arith.constant 0 : i32
      %dma_wait3A_251 = arith.constant 0 : i32
      %dma_wait3A_252 = tpu.memref_slice %arg9[%dma_wait3A_250, %dma_wait3A_251] : memref<128x128xf32, #tpu.memory_space<vmem>> -> memref<113x128xf32, #tpu.memory_space<vmem>>
      %dma_wait3A_253 = arith.constant 0 : i32
      %dma_wait3A_254 = tpu.memref_slice %arg11[%add3A_81, %dma_wait3A_253] : memref<10000x128xf32, #tpu.memory_space<vmem_shared>> -> memref<113x128xf32, #tpu.memory_space<vmem_shared>>
      %dma_wait3A_255 = arith.constant 0 : i32
      %dma_wait3A_256 = tpu.memref_slice %arg11[%add3A_81, %dma_wait3A_255] : memref<10000x128xf32, #tpu.memory_space<vmem_shared>> -> memref<113x128xf32, #tpu.memory_space<vmem_shared>>
      %dma_wait3A_257 = arith.constant 0 : i32
      %dma_wait3A_258 = arith.constant 0 : i32
      %dma_wait3A_259 = tpu.memref_slice %arg9[%dma_wait3A_257, %dma_wait3A_258] : memref<128x128xf32, #tpu.memory_space<vmem>> -> memref<113x128xf32, #tpu.memory_space<vmem>>
      tpu.wait_dma2 semaphore(%run_scoped3A : memref<!tpu.dma_semaphore, #tpu.memory_space<semaphore_mem>>) src(%dma_wait3A_259 : memref<113x128xf32, #tpu.memory_space<vmem>>) dst(%dma_wait3A_256 : memref<113x128xf32, #tpu.memory_space<vmem_shared>>)
      tpu.yield
    }) : () -> ()
    %barrier3A = arith.constant 0 : index
    tpu.barrier barrier_id(%barrier3A)
    %add3A_82 = arith.constant 0 : i32
    %add3A_83 = arith.addi %add3A_82, %add3A : i32
    %min3A_84 = arith.constant 2499 : i32
    %min3A_85 = arith.minsi %add3A_83, %min3A_84 : i32
    %mul3A_86 = arith.constant 128 : i32
    %mul3A_87 = arith.muli %min3A_85, %mul3A_86 : i32
    %multiple_of3A_88 = tpu.assume_multiple %mul3A_87, 128 : i32
    %dma_wait3A = arith.constant 0 : i32
    %dma_wait3A_89 = tpu.memref_slice %arg3[%dma_wait3A, %multiple_of3A_88] : memref<2x320000xi32, #tpu.memory_space<hbm>> -> memref<2x128xi32, #tpu.memory_space<hbm>>
    %dma_wait3A_90 = arith.constant 0 : i32
    %dma_wait3A_91 = tpu.memref_slice %arg3[%dma_wait3A_90, %multiple_of3A_88] : memref<2x320000xi32, #tpu.memory_space<hbm>> -> memref<2x128xi32, #tpu.memory_space<hbm>>
    tpu.wait_dma2 semaphore(%arg12 : memref<!tpu.dma_semaphore, #tpu.memory_space<semaphore_mem>>) src(%dma_wait3A_91 : memref<2x128xi32, #tpu.memory_space<hbm>>) dst(%arg5 : memref<2x128xi32, #tpu.memory_space<vmem>>)
    %dma_start3A_92 = arith.constant 0 : i32
    %dma_start3A_93 = arith.constant 0 : i32
    %dma_start3A_94 = tpu.memref_slice %arg5[%dma_start3A_92, %dma_start3A_93] : memref<2x128xi32, #tpu.memory_space<vmem>> -> memref<1x128xi32, #tpu.memory_space<vmem>>
    %dma_start3A_95 = tpu.memref_squeeze %dma_start3A_94 : memref<1x128xi32, #tpu.memory_space<vmem>> -> memref<128xi32, #tpu.memory_space<vmem>>
    %dma_start3A_96 = arith.constant 0 : i32
    %dma_start3A_97 = arith.constant 0 : i32
    %dma_start3A_98 = tpu.memref_slice %arg2[%dma_start3A_96, %dma_start3A_97] : memref<10240x128xf32, #tpu.memory_space<hbm>> -> memref<10240x128xf32, #tpu.memory_space<hbm>>
    tpu.enqueue_indirect_dma source(%dma_start3A_98 : memref<10240x128xf32, #tpu.memory_space<hbm>>) target(%arg9 : memref<128x128xf32, #tpu.memory_space<vmem>>) offsets(%dma_start3A_95 : memref<128xi32, #tpu.memory_space<vmem>>) semaphore(%arg16 : memref<!tpu.dma_semaphore, #tpu.memory_space<semaphore_mem>>)
    %add3A_99 = arith.constant 32 : i32
    %add3A_100 = arith.addi %add3A_99, %add3A : i32
    %min3A_101 = arith.constant 2499 : i32
    %min3A_102 = arith.minsi %add3A_100, %min3A_101 : i32
    %mul3A_103 = arith.constant 128 : i32
    %mul3A_104 = arith.muli %min3A_102, %mul3A_103 : i32
    %multiple_of3A_105 = tpu.assume_multiple %mul3A_104, 128 : i32
    %dma_wait3A_106 = arith.constant 0 : i32
    %dma_wait3A_107 = tpu.memref_slice %arg3[%dma_wait3A_106, %multiple_of3A_105] : memref<2x320000xi32, #tpu.memory_space<hbm>> -> memref<2x128xi32, #tpu.memory_space<hbm>>
    %dma_wait3A_108 = arith.constant 0 : i32
    %dma_wait3A_109 = tpu.memref_slice %arg3[%dma_wait3A_108, %multiple_of3A_105] : memref<2x320000xi32, #tpu.memory_space<hbm>> -> memref<2x128xi32, #tpu.memory_space<hbm>>
    tpu.wait_dma2 semaphore(%arg13 : memref<!tpu.dma_semaphore, #tpu.memory_space<semaphore_mem>>) src(%dma_wait3A_109 : memref<2x128xi32, #tpu.memory_space<hbm>>) dst(%arg6 : memref<2x128xi32, #tpu.memory_space<vmem>>)
    %dma_start3A_110 = arith.constant 0 : i32
    %dma_start3A_111 = arith.constant 0 : i32
    %dma_start3A_112 = tpu.memref_slice %arg6[%dma_start3A_110, %dma_start3A_111] : memref<2x128xi32, #tpu.memory_space<vmem>> -> memref<1x128xi32, #tpu.memory_space<vmem>>
    %dma_start3A_113 = tpu.memref_squeeze %dma_start3A_112 : memref<1x128xi32, #tpu.memory_space<vmem>> -> memref<128xi32, #tpu.memory_space<vmem>>
    %dma_start3A_114 = arith.constant 0 : i32
    %dma_start3A_115 = arith.constant 0 : i32
    %dma_start3A_116 = tpu.memref_slice %arg2[%dma_start3A_114, %dma_start3A_115] : memref<10240x128xf32, #tpu.memory_space<hbm>> -> memref<10240x128xf32, #tpu.memory_space<hbm>>
    tpu.enqueue_indirect_dma source(%dma_start3A_116 : memref<10240x128xf32, #tpu.memory_space<hbm>>) target(%arg10 : memref<128x128xf32, #tpu.memory_space<vmem>>) offsets(%dma_start3A_113 : memref<128xi32, #tpu.memory_space<vmem>>) semaphore(%arg17 : memref<!tpu.dma_semaphore, #tpu.memory_space<semaphore_mem>>)
    %scan3A_117 = arith.constant 0 : i32
    %scan3A_118 = arith.constant 0 : i32
    %scan3A_119 = arith.constant 19 : i32
    %scan3A_120 = arith.addi %scan3A_118, %scan3A_119 : i32
    %scan3A_121 = arith.constant 1 : i32
    %scan3A_122 = scf.for %scan3A_240 = %scan3A_118 to %scan3A_120 step %scan3A_121 iter_args(%scan3A_241 = %scan3A_117) -> (i32)  : i32 {
      %mul3A_242 = arith.constant 4 : i32
      %mul3A_243 = arith.muli %scan3A_240, %mul3A_242 : i32
      %add3A_244 = arith.constant 0 : i32
      %add3A_245 = arith.addi %mul3A_243, %add3A_244 : i32
      %dma_wait3A_246 = arith.constant 0 : i32
      %dma_wait3A_247 = arith.constant 0 : i32
      %dma_wait3A_248 = tpu.memref_slice %arg5[%dma_wait3A_246, %dma_wait3A_247] : memref<2x128xi32, #tpu.memory_space<vmem>> -> memref<1x128xi32, #tpu.memory_space<vmem>>
      %dma_wait3A_249 = tpu.memref_squeeze %dma_wait3A_248 : memref<1x128xi32, #tpu.memory_space<vmem>> -> memref<128xi32, #tpu.memory_space<vmem>>
      %dma_wait3A_250 = arith.constant 0 : i32
      %dma_wait3A_251 = arith.constant 0 : i32
      %dma_wait3A_252 = tpu.memref_slice %arg2[%dma_wait3A_250, %dma_wait3A_251] : memref<10240x128xf32, #tpu.memory_space<hbm>> -> memref<10240x128xf32, #tpu.memory_space<hbm>>
      tpu.wait_indirect_dma semaphore(%arg16 : memref<!tpu.dma_semaphore, #tpu.memory_space<semaphore_mem>>) src(%dma_wait3A_252 : memref<10240x128xf32, #tpu.memory_space<hbm>>) dst(%arg9 : memref<128x128xf32, #tpu.memory_space<vmem>>)
      %lt3A = arith.cmpi slt, %add3A_245, %select_n3A : i32
      %convert_element_type3A_253 = arith.extui %lt3A : i1 to i32
      %cond3A_254 = arith.constant 0 : i32
      %cond3A_255 = arith.cmpi ne, %convert_element_type3A_253, %cond3A_254 : i32
      scf.if %cond3A_255 {
        %run_scoped3A = arith.constant 1 : i32
        "tpu.region"() ({
          %run_scoped3A_450 = tpu.sem_alloc : memref<!tpu.dma_semaphore, #tpu.memory_space<semaphore_mem>>
          %dma_start3A_451 = arith.constant 0 : i32
          %dma_start3A_452 = tpu.memref_slice %arg5[%run_scoped3A, %dma_start3A_451] : memref<2x128xi32, #tpu.memory_space<vmem>> -> memref<1x128xi32, #tpu.memory_space<vmem>>
          %dma_start3A_453 = tpu.memref_squeeze %dma_start3A_452 : memref<1x128xi32, #tpu.memory_space<vmem>> -> memref<128xi32, #tpu.memory_space<vmem>>
          %dma_start3A_454 = arith.constant 0 : i32
          %dma_start3A_455 = arith.constant 0 : i32
          %dma_start3A_456 = tpu.memref_slice %arg11[%dma_start3A_454, %dma_start3A_455] : memref<10000x128xf32, #tpu.memory_space<vmem_shared>> -> memref<10000x128xf32, #tpu.memory_space<vmem_shared>>
          tpu.enqueue_indirect_dma source(%arg9 : memref<128x128xf32, #tpu.memory_space<vmem>>) target(%dma_start3A_456 : memref<10000x128xf32, #tpu.memory_space<vmem_shared>>) offsets(%dma_start3A_453 : memref<128xi32, #tpu.memory_space<vmem>>) semaphore(%run_scoped3A_450 : memref<!tpu.dma_semaphore, #tpu.memory_space<semaphore_mem>>) {add = true}
          %dma_wait3A_457 = arith.constant 0 : i32
          %dma_wait3A_458 = tpu.memref_slice %arg5[%run_scoped3A, %dma_wait3A_457] : memref<2x128xi32, #tpu.memory_space<vmem>> -> memref<1x128xi32, #tpu.memory_space<vmem>>
          %dma_wait3A_459 = tpu.memref_squeeze %dma_wait3A_458 : memref<1x128xi32, #tpu.memory_space<vmem>> -> memref<128xi32, #tpu.memory_space<vmem>>
          %dma_wait3A_460 = arith.constant 0 : i32
          %dma_wait3A_461 = arith.constant 0 : i32
          %dma_wait3A_462 = tpu.memref_slice %arg11[%dma_wait3A_460, %dma_wait3A_461] : memref<10000x128xf32, #tpu.memory_space<vmem_shared>> -> memref<10000x128xf32, #tpu.memory_space<vmem_shared>>
          tpu.wait_indirect_dma semaphore(%run_scoped3A_450 : memref<!tpu.dma_semaphore, #tpu.memory_space<semaphore_mem>>) src(%arg9 : memref<128x128xf32, #tpu.memory_space<vmem>>) dst(%dma_wait3A_462 : memref<10000x128xf32, #tpu.memory_space<vmem_shared>>)
          tpu.yield
        }) : () -> ()
      } else {
      }
      %add3A_256 = arith.constant 4 : i32
      %add3A_257 = arith.addi %add3A_245, %add3A_256 : i32
      %mul3A_258 = arith.constant 32 : i32
      %mul3A_259 = arith.muli %add3A_257, %mul3A_258 : i32
      %add3A_260 = arith.addi %mul3A_259, %add3A : i32
      %min3A_261 = arith.constant 2499 : i32
      %min3A_262 = arith.minsi %add3A_260, %min3A_261 : i32
      %mul3A_263 = arith.constant 128 : i32
      %mul3A_264 = arith.muli %min3A_262, %mul3A_263 : i32
      %multiple_of3A_265 = tpu.assume_multiple %mul3A_264, 128 : i32
      %dma_start3A_266 = arith.constant 0 : i32
      %dma_start3A_267 = tpu.memref_slice %arg3[%dma_start3A_266, %multiple_of3A_265] : memref<2x320000xi32, #tpu.memory_space<hbm>> -> memref<2x128xi32, #tpu.memory_space<hbm>>
      %dma_start3A_268 = arith.constant 0 : i32
      %dma_start3A_269 = tpu.memref_slice %arg3[%dma_start3A_268, %multiple_of3A_265] : memref<2x320000xi32, #tpu.memory_space<hbm>> -> memref<2x128xi32, #tpu.memory_space<hbm>>
      tpu.enqueue_dma source(%dma_start3A_269 : memref<2x128xi32, #tpu.memory_space<hbm>>) target(%arg5 : memref<2x128xi32, #tpu.memory_space<vmem>>) target_semaphore(%arg12 : memref<!tpu.dma_semaphore, #tpu.memory_space<semaphore_mem>>)
      %add3A_270 = arith.constant 2 : i32
      %add3A_271 = arith.addi %add3A_245, %add3A_270 : i32
      %mul3A_272 = arith.constant 32 : i32
      %mul3A_273 = arith.muli %add3A_271, %mul3A_272 : i32
      %add3A_274 = arith.addi %mul3A_273, %add3A : i32
      %min3A_275 = arith.constant 2499 : i32
      %min3A_276 = arith.minsi %add3A_274, %min3A_275 : i32
      %mul3A_277 = arith.constant 128 : i32
      %mul3A_278 = arith.muli %min3A_276, %mul3A_277 : i32
      %multiple_of3A_279 = tpu.assume_multiple %mul3A_278, 128 : i32
      %dma_wait3A_280 = arith.constant 0 : i32
      %dma_wait3A_281 = tpu.memref_slice %arg3[%dma_wait3A_280, %multiple_of3A_279] : memref<2x320000xi32, #tpu.memory_space<hbm>> -> memref<2x128xi32, #tpu.memory_space<hbm>>
      %dma_wait3A_282 = arith.constant 0 : i32
      %dma_wait3A_283 = tpu.memref_slice %arg3[%dma_wait3A_282, %multiple_of3A_279] : memref<2x320000xi32, #tpu.memory_space<hbm>> -> memref<2x128xi32, #tpu.memory_space<hbm>>
      tpu.wait_dma2 semaphore(%arg14 : memref<!tpu.dma_semaphore, #tpu.memory_space<semaphore_mem>>) src(%dma_wait3A_283 : memref<2x128xi32, #tpu.memory_space<hbm>>) dst(%arg7 : memref<2x128xi32, #tpu.memory_space<vmem>>)
      %add3A_284 = arith.constant 2 : i32
      %add3A_285 = arith.addi %add3A_245, %add3A_284 : i32
      %dma_start3A_286 = arith.constant 0 : i32
      %dma_start3A_287 = arith.constant 0 : i32
      %dma_start3A_288 = tpu.memref_slice %arg7[%dma_start3A_286, %dma_start3A_287] : memref<2x128xi32, #tpu.memory_space<vmem>> -> memref<1x128xi32, #tpu.memory_space<vmem>>
      %dma_start3A_289 = tpu.memref_squeeze %dma_start3A_288 : memref<1x128xi32, #tpu.memory_space<vmem>> -> memref<128xi32, #tpu.memory_space<vmem>>
      %dma_start3A_290 = arith.constant 0 : i32
      %dma_start3A_291 = arith.constant 0 : i32
      %dma_start3A_292 = tpu.memref_slice %arg2[%dma_start3A_290, %dma_start3A_291] : memref<10240x128xf32, #tpu.memory_space<hbm>> -> memref<10240x128xf32, #tpu.memory_space<hbm>>
      tpu.enqueue_indirect_dma source(%dma_start3A_292 : memref<10240x128xf32, #tpu.memory_space<hbm>>) target(%arg9 : memref<128x128xf32, #tpu.memory_space<vmem>>) offsets(%dma_start3A_289 : memref<128xi32, #tpu.memory_space<vmem>>) semaphore(%arg16 : memref<!tpu.dma_semaphore, #tpu.memory_space<semaphore_mem>>)
      %mul3A_293 = arith.constant 4 : i32
      %mul3A_294 = arith.muli %scan3A_240, %mul3A_293 : i32
      %add3A_295 = arith.constant 1 : i32
      %add3A_296 = arith.addi %mul3A_294, %add3A_295 : i32
      %dma_wait3A_297 = arith.constant 0 : i32
      %dma_wait3A_298 = arith.constant 0 : i32
      %dma_wait3A_299 = tpu.memref_slice %arg6[%dma_wait3A_297, %dma_wait3A_298] : memref<2x128xi32, #tpu.memory_space<vmem>> -> memref<1x128xi32, #tpu.memory_space<vmem>>
      %dma_wait3A_300 = tpu.memref_squeeze %dma_wait3A_299 : memref<1x128xi32, #tpu.memory_space<vmem>> -> memref<128xi32, #tpu.memory_space<vmem>>
      %dma_wait3A_301 = arith.constant 0 : i32
      %dma_wait3A_302 = arith.constant 0 : i32
      %dma_wait3A_303 = tpu.memref_slice %arg2[%dma_wait3A_301, %dma_wait3A_302] : memref<10240x128xf32, #tpu.memory_space<hbm>> -> memref<10240x128xf32, #tpu.memory_space<hbm>>
      tpu.wait_indirect_dma semaphore(%arg17 : memref<!tpu.dma_semaphore, #tpu.memory_space<semaphore_mem>>) src(%dma_wait3A_303 : memref<10240x128xf32, #tpu.memory_space<hbm>>) dst(%arg10 : memref<128x128xf32, #tpu.memory_space<vmem>>)
      %lt3A_304 = arith.cmpi slt, %add3A_296, %select_n3A : i32
      %convert_element_type3A_305 = arith.extui %lt3A_304 : i1 to i32
      %cond3A_306 = arith.constant 0 : i32
      %cond3A_307 = arith.cmpi ne, %convert_element_type3A_305, %cond3A_306 : i32
      scf.if %cond3A_307 {
        %run_scoped3A = arith.constant 1 : i32
        "tpu.region"() ({
          %run_scoped3A_450 = tpu.sem_alloc : memref<!tpu.dma_semaphore, #tpu.memory_space<semaphore_mem>>
          %dma_start3A_451 = arith.constant 0 : i32
          %dma_start3A_452 = tpu.memref_slice %arg6[%run_scoped3A, %dma_start3A_451] : memref<2x128xi32, #tpu.memory_space<vmem>> -> memref<1x128xi32, #tpu.memory_space<vmem>>
          %dma_start3A_453 = tpu.memref_squeeze %dma_start3A_452 : memref<1x128xi32, #tpu.memory_space<vmem>> -> memref<128xi32, #tpu.memory_space<vmem>>
          %dma_start3A_454 = arith.constant 0 : i32
          %dma_start3A_455 = arith.constant 0 : i32
          %dma_start3A_456 = tpu.memref_slice %arg11[%dma_start3A_454, %dma_start3A_455] : memref<10000x128xf32, #tpu.memory_space<vmem_shared>> -> memref<10000x128xf32, #tpu.memory_space<vmem_shared>>
          tpu.enqueue_indirect_dma source(%arg10 : memref<128x128xf32, #tpu.memory_space<vmem>>) target(%dma_start3A_456 : memref<10000x128xf32, #tpu.memory_space<vmem_shared>>) offsets(%dma_start3A_453 : memref<128xi32, #tpu.memory_space<vmem>>) semaphore(%run_scoped3A_450 : memref<!tpu.dma_semaphore, #tpu.memory_space<semaphore_mem>>) {add = true}
          %dma_wait3A_457 = arith.constant 0 : i32
          %dma_wait3A_458 = tpu.memref_slice %arg6[%run_scoped3A, %dma_wait3A_457] : memref<2x128xi32, #tpu.memory_space<vmem>> -> memref<1x128xi32, #tpu.memory_space<vmem>>
          %dma_wait3A_459 = tpu.memref_squeeze %dma_wait3A_458 : memref<1x128xi32, #tpu.memory_space<vmem>> -> memref<128xi32, #tpu.memory_space<vmem>>
          %dma_wait3A_460 = arith.constant 0 : i32
          %dma_wait3A_461 = arith.constant 0 : i32
          %dma_wait3A_462 = tpu.memref_slice %arg11[%dma_wait3A_460, %dma_wait3A_461] : memref<10000x128xf32, #tpu.memory_space<vmem_shared>> -> memref<10000x128xf32, #tpu.memory_space<vmem_shared>>
          tpu.wait_indirect_dma semaphore(%run_scoped3A_450 : memref<!tpu.dma_semaphore, #tpu.memory_space<semaphore_mem>>) src(%arg10 : memref<128x128xf32, #tpu.memory_space<vmem>>) dst(%dma_wait3A_462 : memref<10000x128xf32, #tpu.memory_space<vmem_shared>>)
          tpu.yield
        }) : () -> ()
      } else {
      }
      %add3A_308 = arith.constant 4 : i32
      %add3A_309 = arith.addi %add3A_296, %add3A_308 : i32
      %mul3A_310 = arith.constant 32 : i32
      %mul3A_311 = arith.muli %add3A_309, %mul3A_310 : i32
      %add3A_312 = arith.addi %mul3A_311, %add3A : i32
      %min3A_313 = arith.constant 2499 : i32
      %min3A_314 = arith.minsi %add3A_312, %min3A_313 : i32
      %mul3A_315 = arith.constant 128 : i32
      %mul3A_316 = arith.muli %min3A_314, %mul3A_315 : i32
      %multiple_of3A_317 = tpu.assume_multiple %mul3A_316, 128 : i32
      %dma_start3A_318 = arith.constant 0 : i32
      %dma_start3A_319 = tpu.memref_slice %arg3[%dma_start3A_318, %multiple_of3A_317] : memref<2x320000xi32, #tpu.memory_space<hbm>> -> memref<2x128xi32, #tpu.memory_space<hbm>>
      %dma_start3A_320 = arith.constant 0 : i32
      %dma_start3A_321 = tpu.memref_slice %arg3[%dma_start3A_320, %multiple_of3A_317] : memref<2x320000xi32, #tpu.memory_space<hbm>> -> memref<2x128xi32, #tpu.memory_space<hbm>>
      tpu.enqueue_dma source(%dma_start3A_321 : memref<2x128xi32, #tpu.memory_space<hbm>>) target(%arg6 : memref<2x128xi32, #tpu.memory_space<vmem>>) target_semaphore(%arg13 : memref<!tpu.dma_semaphore, #tpu.memory_space<semaphore_mem>>)
      %add3A_322 = arith.constant 2 : i32
      %add3A_323 = arith.addi %add3A_296, %add3A_322 : i32
      %mul3A_324 = arith.constant 32 : i32
      %mul3A_325 = arith.muli %add3A_323, %mul3A_324 : i32
      %add3A_326 = arith.addi %mul3A_325, %add3A : i32
      %min3A_327 = arith.constant 2499 : i32
      %min3A_328 = arith.minsi %add3A_326, %min3A_327 : i32
      %mul3A_329 = arith.constant 128 : i32
      %mul3A_330 = arith.muli %min3A_328, %mul3A_329 : i32
      %multiple_of3A_331 = tpu.assume_multiple %mul3A_330, 128 : i32
      %dma_wait3A_332 = arith.constant 0 : i32
      %dma_wait3A_333 = tpu.memref_slice %arg3[%dma_wait3A_332, %multiple_of3A_331] : memref<2x320000xi32, #tpu.memory_space<hbm>> -> memref<2x128xi32, #tpu.memory_space<hbm>>
      %dma_wait3A_334 = arith.constant 0 : i32
      %dma_wait3A_335 = tpu.memref_slice %arg3[%dma_wait3A_334, %multiple_of3A_331] : memref<2x320000xi32, #tpu.memory_space<hbm>> -> memref<2x128xi32, #tpu.memory_space<hbm>>
      tpu.wait_dma2 semaphore(%arg15 : memref<!tpu.dma_semaphore, #tpu.memory_space<semaphore_mem>>) src(%dma_wait3A_335 : memref<2x128xi32, #tpu.memory_space<hbm>>) dst(%arg8 : memref<2x128xi32, #tpu.memory_space<vmem>>)
      %add3A_336 = arith.constant 2 : i32
      %add3A_337 = arith.addi %add3A_296, %add3A_336 : i32
      %dma_start3A_338 = arith.constant 0 : i32
      %dma_start3A_339 = arith.constant 0 : i32
      %dma_start3A_340 = tpu.memref_slice %arg8[%dma_start3A_338, %dma_start3A_339] : memref<2x128xi32, #tpu.memory_space<vmem>> -> memref<1x128xi32, #tpu.memory_space<vmem>>
      %dma_start3A_341 = tpu.memref_squeeze %dma_start3A_340 : memref<1x128xi32, #tpu.memory_space<vmem>> -> memref<128xi32, #tpu.memory_space<vmem>>
      %dma_start3A_342 = arith.constant 0 : i32
      %dma_start3A_343 = arith.constant 0 : i32
      %dma_start3A_344 = tpu.memref_slice %arg2[%dma_start3A_342, %dma_start3A_343] : memref<10240x128xf32, #tpu.memory_space<hbm>> -> memref<10240x128xf32, #tpu.memory_space<hbm>>
      tpu.enqueue_indirect_dma source(%dma_start3A_344 : memref<10240x128xf32, #tpu.memory_space<hbm>>) target(%arg10 : memref<128x128xf32, #tpu.memory_space<vmem>>) offsets(%dma_start3A_341 : memref<128xi32, #tpu.memory_space<vmem>>) semaphore(%arg17 : memref<!tpu.dma_semaphore, #tpu.memory_space<semaphore_mem>>)
      %mul3A_345 = arith.constant 4 : i32
      %mul3A_346 = arith.muli %scan3A_240, %mul3A_345 : i32
      %add3A_347 = arith.constant 2 : i32
      %add3A_348 = arith.addi %mul3A_346, %add3A_347 : i32
      %dma_wait3A_349 = arith.constant 0 : i32
      %dma_wait3A_350 = arith.constant 0 : i32
      %dma_wait3A_351 = tpu.memref_slice %arg7[%dma_wait3A_349, %dma_wait3A_350] : memref<2x128xi32, #tpu.memory_space<vmem>> -> memref<1x128xi32, #tpu.memory_space<vmem>>
      %dma_wait3A_352 = tpu.memref_squeeze %dma_wait3A_351 : memref<1x128xi32, #tpu.memory_space<vmem>> -> memref<128xi32, #tpu.memory_space<vmem>>
      %dma_wait3A_353 = arith.constant 0 : i32
      %dma_wait3A_354 = arith.constant 0 : i32
      %dma_wait3A_355 = tpu.memref_slice %arg2[%dma_wait3A_353, %dma_wait3A_354] : memref<10240x128xf32, #tpu.memory_space<hbm>> -> memref<10240x128xf32, #tpu.memory_space<hbm>>
      tpu.wait_indirect_dma semaphore(%arg16 : memref<!tpu.dma_semaphore, #tpu.memory_space<semaphore_mem>>) src(%dma_wait3A_355 : memref<10240x128xf32, #tpu.memory_space<hbm>>) dst(%arg9 : memref<128x128xf32, #tpu.memory_space<vmem>>)
      %lt3A_356 = arith.cmpi slt, %add3A_348, %select_n3A : i32
      %convert_element_type3A_357 = arith.extui %lt3A_356 : i1 to i32
      %cond3A_358 = arith.constant 0 : i32
      %cond3A_359 = arith.cmpi ne, %convert_element_type3A_357, %cond3A_358 : i32
      scf.if %cond3A_359 {
        %run_scoped3A = arith.constant 1 : i32
        "tpu.region"() ({
          %run_scoped3A_450 = tpu.sem_alloc : memref<!tpu.dma_semaphore, #tpu.memory_space<semaphore_mem>>
          %dma_start3A_451 = arith.constant 0 : i32
          %dma_start3A_452 = tpu.memref_slice %arg7[%run_scoped3A, %dma_start3A_451] : memref<2x128xi32, #tpu.memory_space<vmem>> -> memref<1x128xi32, #tpu.memory_space<vmem>>
          %dma_start3A_453 = tpu.memref_squeeze %dma_start3A_452 : memref<1x128xi32, #tpu.memory_space<vmem>> -> memref<128xi32, #tpu.memory_space<vmem>>
          %dma_start3A_454 = arith.constant 0 : i32
          %dma_start3A_455 = arith.constant 0 : i32
          %dma_start3A_456 = tpu.memref_slice %arg11[%dma_start3A_454, %dma_start3A_455] : memref<10000x128xf32, #tpu.memory_space<vmem_shared>> -> memref<10000x128xf32, #tpu.memory_space<vmem_shared>>
          tpu.enqueue_indirect_dma source(%arg9 : memref<128x128xf32, #tpu.memory_space<vmem>>) target(%dma_start3A_456 : memref<10000x128xf32, #tpu.memory_space<vmem_shared>>) offsets(%dma_start3A_453 : memref<128xi32, #tpu.memory_space<vmem>>) semaphore(%run_scoped3A_450 : memref<!tpu.dma_semaphore, #tpu.memory_space<semaphore_mem>>) {add = true}
          %dma_wait3A_457 = arith.constant 0 : i32
          %dma_wait3A_458 = tpu.memref_slice %arg7[%run_scoped3A, %dma_wait3A_457] : memref<2x128xi32, #tpu.memory_space<vmem>> -> memref<1x128xi32, #tpu.memory_space<vmem>>
          %dma_wait3A_459 = tpu.memref_squeeze %dma_wait3A_458 : memref<1x128xi32, #tpu.memory_space<vmem>> -> memref<128xi32, #tpu.memory_space<vmem>>
          %dma_wait3A_460 = arith.constant 0 : i32
          %dma_wait3A_461 = arith.constant 0 : i32
          %dma_wait3A_462 = tpu.memref_slice %arg11[%dma_wait3A_460, %dma_wait3A_461] : memref<10000x128xf32, #tpu.memory_space<vmem_shared>> -> memref<10000x128xf32, #tpu.memory_space<vmem_shared>>
          tpu.wait_indirect_dma semaphore(%run_scoped3A_450 : memref<!tpu.dma_semaphore, #tpu.memory_space<semaphore_mem>>) src(%arg9 : memref<128x128xf32, #tpu.memory_space<vmem>>) dst(%dma_wait3A_462 : memref<10000x128xf32, #tpu.memory_space<vmem_shared>>)
          tpu.yield
        }) : () -> ()
      } else {
      }
      %add3A_360 = arith.constant 4 : i32
      %add3A_361 = arith.addi %add3A_348, %add3A_360 : i32
      %mul3A_362 = arith.constant 32 : i32
      %mul3A_363 = arith.muli %add3A_361, %mul3A_362 : i32
      %add3A_364 = arith.addi %mul3A_363, %add3A : i32
      %min3A_365 = arith.constant 2499 : i32
      %min3A_366 = arith.minsi %add3A_364, %min3A_365 : i32
      %mul3A_367 = arith.constant 128 : i32
      %mul3A_368 = arith.muli %min3A_366, %mul3A_367 : i32
      %multiple_of3A_369 = tpu.assume_multiple %mul3A_368, 128 : i32
      %dma_start3A_370 = arith.constant 0 : i32
      %dma_start3A_371 = tpu.memref_slice %arg3[%dma_start3A_370, %multiple_of3A_369] : memref<2x320000xi32, #tpu.memory_space<hbm>> -> memref<2x128xi32, #tpu.memory_space<hbm>>
      %dma_start3A_372 = arith.constant 0 : i32
      %dma_start3A_373 = tpu.memref_slice %arg3[%dma_start3A_372, %multiple_of3A_369] : memref<2x320000xi32, #tpu.memory_space<hbm>> -> memref<2x128xi32, #tpu.memory_space<hbm>>
      tpu.enqueue_dma source(%dma_start3A_373 : memref<2x128xi32, #tpu.memory_space<hbm>>) target(%arg7 : memref<2x128xi32, #tpu.memory_space<vmem>>) target_semaphore(%arg14 : memref<!tpu.dma_semaphore, #tpu.memory_space<semaphore_mem>>)
      %add3A_374 = arith.constant 2 : i32
      %add3A_375 = arith.addi %add3A_348, %add3A_374 : i32
      %mul3A_376 = arith.constant 32 : i32
      %mul3A_377 = arith.muli %add3A_375, %mul3A_376 : i32
      %add3A_378 = arith.addi %mul3A_377, %add3A : i32
      %min3A_379 = arith.constant 2499 : i32
      %min3A_380 = arith.minsi %add3A_378, %min3A_379 : i32
      %mul3A_381 = arith.constant 128 : i32
      %mul3A_382 = arith.muli %min3A_380, %mul3A_381 : i32
      %multiple_of3A_383 = tpu.assume_multiple %mul3A_382, 128 : i32
      %dma_wait3A_384 = arith.constant 0 : i32
      %dma_wait3A_385 = tpu.memref_slice %arg3[%dma_wait3A_384, %multiple_of3A_383] : memref<2x320000xi32, #tpu.memory_space<hbm>> -> memref<2x128xi32, #tpu.memory_space<hbm>>
      %dma_wait3A_386 = arith.constant 0 : i32
      %dma_wait3A_387 = tpu.memref_slice %arg3[%dma_wait3A_386, %multiple_of3A_383] : memref<2x320000xi32, #tpu.memory_space<hbm>> -> memref<2x128xi32, #tpu.memory_space<hbm>>
      tpu.wait_dma2 semaphore(%arg12 : memref<!tpu.dma_semaphore, #tpu.memory_space<semaphore_mem>>) src(%dma_wait3A_387 : memref<2x128xi32, #tpu.memory_space<hbm>>) dst(%arg5 : memref<2x128xi32, #tpu.memory_space<vmem>>)
      %add3A_388 = arith.constant 2 : i32
      %add3A_389 = arith.addi %add3A_348, %add3A_388 : i32
      %dma_start3A_390 = arith.constant 0 : i32
      %dma_start3A_391 = arith.constant 0 : i32
      %dma_start3A_392 = tpu.memref_slice %arg5[%dma_start3A_390, %dma_start3A_391] : memref<2x128xi32, #tpu.memory_space<vmem>> -> memref<1x128xi32, #tpu.memory_space<vmem>>
      %dma_start3A_393 = tpu.memref_squeeze %dma_start3A_392 : memref<1x128xi32, #tpu.memory_space<vmem>> -> memref<128xi32, #tpu.memory_space<vmem>>
      %dma_start3A_394 = arith.constant 0 : i32
      %dma_start3A_395 = arith.constant 0 : i32
      %dma_start3A_396 = tpu.memref_slice %arg2[%dma_start3A_394, %dma_start3A_395] : memref<10240x128xf32, #tpu.memory_space<hbm>> -> memref<10240x128xf32, #tpu.memory_space<hbm>>
      tpu.enqueue_indirect_dma source(%dma_start3A_396 : memref<10240x128xf32, #tpu.memory_space<hbm>>) target(%arg9 : memref<128x128xf32, #tpu.memory_space<vmem>>) offsets(%dma_start3A_393 : memref<128xi32, #tpu.memory_space<vmem>>) semaphore(%arg16 : memref<!tpu.dma_semaphore, #tpu.memory_space<semaphore_mem>>)
      %mul3A_397 = arith.constant 4 : i32
      %mul3A_398 = arith.muli %scan3A_240, %mul3A_397 : i32
      %add3A_399 = arith.constant 3 : i32
      %add3A_400 = arith.addi %mul3A_398, %add3A_399 : i32
      %dma_wait3A_401 = arith.constant 0 : i32
      %dma_wait3A_402 = arith.constant 0 : i32
      %dma_wait3A_403 = tpu.memref_slice %arg8[%dma_wait3A_401, %dma_wait3A_402] : memref<2x128xi32, #tpu.memory_space<vmem>> -> memref<1x128xi32, #tpu.memory_space<vmem>>
      %dma_wait3A_404 = tpu.memref_squeeze %dma_wait3A_403 : memref<1x128xi32, #tpu.memory_space<vmem>> -> memref<128xi32, #tpu.memory_space<vmem>>
      %dma_wait3A_405 = arith.constant 0 : i32
      %dma_wait3A_406 = arith.constant 0 : i32
      %dma_wait3A_407 = tpu.memref_slice %arg2[%dma_wait3A_405, %dma_wait3A_406] : memref<10240x128xf32, #tpu.memory_space<hbm>> -> memref<10240x128xf32, #tpu.memory_space<hbm>>
      tpu.wait_indirect_dma semaphore(%arg17 : memref<!tpu.dma_semaphore, #tpu.memory_space<semaphore_mem>>) src(%dma_wait3A_407 : memref<10240x128xf32, #tpu.memory_space<hbm>>) dst(%arg10 : memref<128x128xf32, #tpu.memory_space<vmem>>)
      %lt3A_408 = arith.cmpi slt, %add3A_400, %select_n3A : i32
      %convert_element_type3A_409 = arith.extui %lt3A_408 : i1 to i32
      %cond3A_410 = arith.constant 0 : i32
      %cond3A_411 = arith.cmpi ne, %convert_element_type3A_409, %cond3A_410 : i32
      scf.if %cond3A_411 {
        %run_scoped3A = arith.constant 1 : i32
        "tpu.region"() ({
          %run_scoped3A_450 = tpu.sem_alloc : memref<!tpu.dma_semaphore, #tpu.memory_space<semaphore_mem>>
          %dma_start3A_451 = arith.constant 0 : i32
          %dma_start3A_452 = tpu.memref_slice %arg8[%run_scoped3A, %dma_start3A_451] : memref<2x128xi32, #tpu.memory_space<vmem>> -> memref<1x128xi32, #tpu.memory_space<vmem>>
          %dma_start3A_453 = tpu.memref_squeeze %dma_start3A_452 : memref<1x128xi32, #tpu.memory_space<vmem>> -> memref<128xi32, #tpu.memory_space<vmem>>
          %dma_start3A_454 = arith.constant 0 : i32
          %dma_start3A_455 = arith.constant 0 : i32
          %dma_start3A_456 = tpu.memref_slice %arg11[%dma_start3A_454, %dma_start3A_455] : memref<10000x128xf32, #tpu.memory_space<vmem_shared>> -> memref<10000x128xf32, #tpu.memory_space<vmem_shared>>
          tpu.enqueue_indirect_dma source(%arg10 : memref<128x128xf32, #tpu.memory_space<vmem>>) target(%dma_start3A_456 : memref<10000x128xf32, #tpu.memory_space<vmem_shared>>) offsets(%dma_start3A_453 : memref<128xi32, #tpu.memory_space<vmem>>) semaphore(%run_scoped3A_450 : memref<!tpu.dma_semaphore, #tpu.memory_space<semaphore_mem>>) {add = true}
          %dma_wait3A_457 = arith.constant 0 : i32
          %dma_wait3A_458 = tpu.memref_slice %arg8[%run_scoped3A, %dma_wait3A_457] : memref<2x128xi32, #tpu.memory_space<vmem>> -> memref<1x128xi32, #tpu.memory_space<vmem>>
          %dma_wait3A_459 = tpu.memref_squeeze %dma_wait3A_458 : memref<1x128xi32, #tpu.memory_space<vmem>> -> memref<128xi32, #tpu.memory_space<vmem>>
          %dma_wait3A_460 = arith.constant 0 : i32
          %dma_wait3A_461 = arith.constant 0 : i32
          %dma_wait3A_462 = tpu.memref_slice %arg11[%dma_wait3A_460, %dma_wait3A_461] : memref<10000x128xf32, #tpu.memory_space<vmem_shared>> -> memref<10000x128xf32, #tpu.memory_space<vmem_shared>>
          tpu.wait_indirect_dma semaphore(%run_scoped3A_450 : memref<!tpu.dma_semaphore, #tpu.memory_space<semaphore_mem>>) src(%arg10 : memref<128x128xf32, #tpu.memory_space<vmem>>) dst(%dma_wait3A_462 : memref<10000x128xf32, #tpu.memory_space<vmem_shared>>)
          tpu.yield
        }) : () -> ()
      } else {
      }
      %add3A_412 = arith.constant 4 : i32
      %add3A_413 = arith.addi %add3A_400, %add3A_412 : i32
      %mul3A_414 = arith.constant 32 : i32
      %mul3A_415 = arith.muli %add3A_413, %mul3A_414 : i32
      %add3A_416 = arith.addi %mul3A_415, %add3A : i32
      %min3A_417 = arith.constant 2499 : i32
      %min3A_418 = arith.minsi %add3A_416, %min3A_417 : i32
      %mul3A_419 = arith.constant 128 : i32
      %mul3A_420 = arith.muli %min3A_418, %mul3A_419 : i32
      %multiple_of3A_421 = tpu.assume_multiple %mul3A_420, 128 : i32
      %dma_start3A_422 = arith.constant 0 : i32
      %dma_start3A_423 = tpu.memref_slice %arg3[%dma_start3A_422, %multiple_of3A_421] : memref<2x320000xi32, #tpu.memory_space<hbm>> -> memref<2x128xi32, #tpu.memory_space<hbm>>
      %dma_start3A_424 = arith.constant 0 : i32
      %dma_start3A_425 = tpu.memref_slice %arg3[%dma_start3A_424, %multiple_of3A_421] : memref<2x320000xi32, #tpu.memory_space<hbm>> -> memref<2x128xi32, #tpu.memory_space<hbm>>
      tpu.enqueue_dma source(%dma_start3A_425 : memref<2x128xi32, #tpu.memory_space<hbm>>) target(%arg8 : memref<2x128xi32, #tpu.memory_space<vmem>>) target_semaphore(%arg15 : memref<!tpu.dma_semaphore, #tpu.memory_space<semaphore_mem>>)
      %add3A_426 = arith.constant 2 : i32
      %add3A_427 = arith.addi %add3A_400, %add3A_426 : i32
      %mul3A_428 = arith.constant 32 : i32
      %mul3A_429 = arith.muli %add3A_427, %mul3A_428 : i32
      %add3A_430 = arith.addi %mul3A_429, %add3A : i32
      %min3A_431 = arith.constant 2499 : i32
      %min3A_432 = arith.minsi %add3A_430, %min3A_431 : i32
      %mul3A_433 = arith.constant 128 : i32
      %mul3A_434 = arith.muli %min3A_432, %mul3A_433 : i32
      %multiple_of3A_435 = tpu.assume_multiple %mul3A_434, 128 : i32
      %dma_wait3A_436 = arith.constant 0 : i32
      %dma_wait3A_437 = tpu.memref_slice %arg3[%dma_wait3A_436, %multiple_of3A_435] : memref<2x320000xi32, #tpu.memory_space<hbm>> -> memref<2x128xi32, #tpu.memory_space<hbm>>
      %dma_wait3A_438 = arith.constant 0 : i32
      %dma_wait3A_439 = tpu.memref_slice %arg3[%dma_wait3A_438, %multiple_of3A_435] : memref<2x320000xi32, #tpu.memory_space<hbm>> -> memref<2x128xi32, #tpu.memory_space<hbm>>
      tpu.wait_dma2 semaphore(%arg13 : memref<!tpu.dma_semaphore, #tpu.memory_space<semaphore_mem>>) src(%dma_wait3A_439 : memref<2x128xi32, #tpu.memory_space<hbm>>) dst(%arg6 : memref<2x128xi32, #tpu.memory_space<vmem>>)
      %add3A_440 = arith.constant 2 : i32
      %add3A_441 = arith.addi %add3A_400, %add3A_440 : i32
      %dma_start3A_442 = arith.constant 0 : i32
      %dma_start3A_443 = arith.constant 0 : i32
      %dma_start3A_444 = tpu.memref_slice %arg6[%dma_start3A_442, %dma_start3A_443] : memref<2x128xi32, #tpu.memory_space<vmem>> -> memref<1x128xi32, #tpu.memory_space<vmem>>
      %dma_start3A_445 = tpu.memref_squeeze %dma_start3A_444 : memref<1x128xi32, #tpu.memory_space<vmem>> -> memref<128xi32, #tpu.memory_space<vmem>>
      %dma_start3A_446 = arith.constant 0 : i32
      %dma_start3A_447 = arith.constant 0 : i32
      %dma_start3A_448 = tpu.memref_slice %arg2[%dma_start3A_446, %dma_start3A_447] : memref<10240x128xf32, #tpu.memory_space<hbm>> -> memref<10240x128xf32, #tpu.memory_space<hbm>>
      tpu.enqueue_indirect_dma source(%dma_start3A_448 : memref<10240x128xf32, #tpu.memory_space<hbm>>) target(%arg10 : memref<128x128xf32, #tpu.memory_space<vmem>>) offsets(%dma_start3A_445 : memref<128xi32, #tpu.memory_space<vmem>>) semaphore(%arg17 : memref<!tpu.dma_semaphore, #tpu.memory_space<semaphore_mem>>)
      %scan3A_449 = arith.constant 0 : i32
      scf.yield %scan3A_449 : i32
    }
    %scan3A_123 = arith.constant 19 : i32
    %dma_wait3A_124 = arith.constant 0 : i32
    %dma_wait3A_125 = arith.constant 0 : i32
    %dma_wait3A_126 = tpu.memref_slice %arg5[%dma_wait3A_124, %dma_wait3A_125] : memref<2x128xi32, #tpu.memory_space<vmem>> -> memref<1x128xi32, #tpu.memory_space<vmem>>
    %dma_wait3A_127 = tpu.memref_squeeze %dma_wait3A_126 : memref<1x128xi32, #tpu.memory_space<vmem>> -> memref<128xi32, #tpu.memory_space<vmem>>
    %dma_wait3A_128 = arith.constant 0 : i32
    %dma_wait3A_129 = arith.constant 0 : i32
    %dma_wait3A_130 = tpu.memref_slice %arg2[%dma_wait3A_128, %dma_wait3A_129] : memref<10240x128xf32, #tpu.memory_space<hbm>> -> memref<10240x128xf32, #tpu.memory_space<hbm>>
    tpu.wait_indirect_dma semaphore(%arg16 : memref<!tpu.dma_semaphore, #tpu.memory_space<semaphore_mem>>) src(%dma_wait3A_130 : memref<10240x128xf32, #tpu.memory_space<hbm>>) dst(%arg9 : memref<128x128xf32, #tpu.memory_space<vmem>>)
    %gt3A = arith.constant 76 : i32
    %gt3A_131 = arith.cmpi sgt, %select_n3A, %gt3A : i32
    %convert_element_type3A = arith.extui %gt3A_131 : i1 to i32
    %cond3A = arith.constant 0 : i32
    %cond3A_132 = arith.cmpi ne, %convert_element_type3A, %cond3A : i32
    scf.if %cond3A_132 {
      %run_scoped3A = arith.constant 1 : i32
      "tpu.region"() ({
        %run_scoped3A_240 = tpu.sem_alloc : memref<!tpu.dma_semaphore, #tpu.memory_space<semaphore_mem>>
        %dma_start3A_241 = arith.constant 0 : i32
        %dma_start3A_242 = tpu.memref_slice %arg5[%run_scoped3A, %dma_start3A_241] : memref<2x128xi32, #tpu.memory_space<vmem>> -> memref<1x128xi32, #tpu.memory_space<vmem>>
        %dma_start3A_243 = tpu.memref_squeeze %dma_start3A_242 : memref<1x128xi32, #tpu.memory_space<vmem>> -> memref<128xi32, #tpu.memory_space<vmem>>
        %dma_start3A_244 = arith.constant 0 : i32
        %dma_start3A_245 = arith.constant 0 : i32
        %dma_start3A_246 = tpu.memref_slice %arg11[%dma_start3A_244, %dma_start3A_245] : memref<10000x128xf32, #tpu.memory_space<vmem_shared>> -> memref<10000x128xf32, #tpu.memory_space<vmem_shared>>
        tpu.enqueue_indirect_dma source(%arg9 : memref<128x128xf32, #tpu.memory_space<vmem>>) target(%dma_start3A_246 : memref<10000x128xf32, #tpu.memory_space<vmem_shared>>) offsets(%dma_start3A_243 : memref<128xi32, #tpu.memory_space<vmem>>) semaphore(%run_scoped3A_240 : memref<!tpu.dma_semaphore, #tpu.memory_space<semaphore_mem>>) {add = true}
        %dma_wait3A_247 = arith.constant 0 : i32
        %dma_wait3A_248 = tpu.memref_slice %arg5[%run_scoped3A, %dma_wait3A_247] : memref<2x128xi32, #tpu.memory_space<vmem>> -> memref<1x128xi32, #tpu.memory_space<vmem>>
        %dma_wait3A_249 = tpu.memref_squeeze %dma_wait3A_248 : memref<1x128xi32, #tpu.memory_space<vmem>> -> memref<128xi32, #tpu.memory_space<vmem>>
        %dma_wait3A_250 = arith.constant 0 : i32
        %dma_wait3A_251 = arith.constant 0 : i32
        %dma_wait3A_252 = tpu.memref_slice %arg11[%dma_wait3A_250, %dma_wait3A_251] : memref<10000x128xf32, #tpu.memory_space<vmem_shared>> -> memref<10000x128xf32, #tpu.memory_space<vmem_shared>>
        tpu.wait_indirect_dma semaphore(%run_scoped3A_240 : memref<!tpu.dma_semaphore, #tpu.memory_space<semaphore_mem>>) src(%arg9 : memref<128x128xf32, #tpu.memory_space<vmem>>) dst(%dma_wait3A_252 : memref<10000x128xf32, #tpu.memory_space<vmem_shared>>)
        tpu.yield
      }) : () -> ()
    } else {
    }
    %add3A_133 = arith.constant 2496 : i32
    %add3A_134 = arith.addi %add3A_133, %add3A : i32
    %min3A_135 = arith.constant 2499 : i32
    %min3A_136 = arith.minsi %add3A_134, %min3A_135 : i32
    %mul3A_137 = arith.constant 128 : i32
    %mul3A_138 = arith.muli %min3A_136, %mul3A_137 : i32
    %multiple_of3A_139 = tpu.assume_multiple %mul3A_138, 128 : i32
    %dma_wait3A_140 = arith.constant 0 : i32
    %dma_wait3A_141 = tpu.memref_slice %arg3[%dma_wait3A_140, %multiple_of3A_139] : memref<2x320000xi32, #tpu.memory_space<hbm>> -> memref<2x128xi32, #tpu.memory_space<hbm>>
    %dma_wait3A_142 = arith.constant 0 : i32
    %dma_wait3A_143 = tpu.memref_slice %arg3[%dma_wait3A_142, %multiple_of3A_139] : memref<2x320000xi32, #tpu.memory_space<hbm>> -> memref<2x128xi32, #tpu.memory_space<hbm>>
    tpu.wait_dma2 semaphore(%arg14 : memref<!tpu.dma_semaphore, #tpu.memory_space<semaphore_mem>>) src(%dma_wait3A_143 : memref<2x128xi32, #tpu.memory_space<hbm>>) dst(%arg7 : memref<2x128xi32, #tpu.memory_space<vmem>>)
    %dma_start3A_144 = arith.constant 0 : i32
    %dma_start3A_145 = arith.constant 0 : i32
    %dma_start3A_146 = tpu.memref_slice %arg7[%dma_start3A_144, %dma_start3A_145] : memref<2x128xi32, #tpu.memory_space<vmem>> -> memref<1x128xi32, #tpu.memory_space<vmem>>
    %dma_start3A_147 = tpu.memref_squeeze %dma_start3A_146 : memref<1x128xi32, #tpu.memory_space<vmem>> -> memref<128xi32, #tpu.memory_space<vmem>>
    %dma_start3A_148 = arith.constant 0 : i32
    %dma_start3A_149 = arith.constant 0 : i32
    %dma_start3A_150 = tpu.memref_slice %arg2[%dma_start3A_148, %dma_start3A_149] : memref<10240x128xf32, #tpu.memory_space<hbm>> -> memref<10240x128xf32, #tpu.memory_space<hbm>>
    tpu.enqueue_indirect_dma source(%dma_start3A_150 : memref<10240x128xf32, #tpu.memory_space<hbm>>) target(%arg9 : memref<128x128xf32, #tpu.memory_space<vmem>>) offsets(%dma_start3A_147 : memref<128xi32, #tpu.memory_space<vmem>>) semaphore(%arg16 : memref<!tpu.dma_semaphore, #tpu.memory_space<semaphore_mem>>)
    %dma_wait3A_151 = arith.constant 0 : i32
    %dma_wait3A_152 = arith.constant 0 : i32
    %dma_wait3A_153 = tpu.memref_slice %arg6[%dma_wait3A_151, %dma_wait3A_152] : memref<2x128xi32, #tpu.memory_space<vmem>> -> memref<1x128xi32, #tpu.memory_space<vmem>>
    %dma_wait3A_154 = tpu.memref_squeeze %dma_wait3A_153 : memref<1x128xi32, #tpu.memory_space<vmem>> -> memref<128xi32, #tpu.memory_space<vmem>>
    %dma_wait3A_155 = arith.constant 0 : i32
    %dma_wait3A_156 = arith.constant 0 : i32
    %dma_wait3A_157 = tpu.memref_slice %arg2[%dma_wait3A_155, %dma_wait3A_156] : memref<10240x128xf32, #tpu.memory_space<hbm>> -> memref<10240x128xf32, #tpu.memory_space<hbm>>
    tpu.wait_indirect_dma semaphore(%arg17 : memref<!tpu.dma_semaphore, #tpu.memory_space<semaphore_mem>>) src(%dma_wait3A_157 : memref<10240x128xf32, #tpu.memory_space<hbm>>) dst(%arg10 : memref<128x128xf32, #tpu.memory_space<vmem>>)
    %gt3A_158 = arith.constant 77 : i32
    %gt3A_159 = arith.cmpi sgt, %select_n3A, %gt3A_158 : i32
    %convert_element_type3A_160 = arith.extui %gt3A_159 : i1 to i32
    %cond3A_161 = arith.constant 0 : i32
    %cond3A_162 = arith.cmpi ne, %convert_element_type3A_160, %cond3A_161 : i32
    scf.if %cond3A_162 {
      %run_scoped3A = arith.constant 1 : i32
      "tpu.region"() ({
        %run_scoped3A_240 = tpu.sem_alloc : memref<!tpu.dma_semaphore, #tpu.memory_space<semaphore_mem>>
        %dma_start3A_241 = arith.constant 0 : i32
        %dma_start3A_242 = tpu.memref_slice %arg6[%run_scoped3A, %dma_start3A_241] : memref<2x128xi32, #tpu.memory_space<vmem>> -> memref<1x128xi32, #tpu.memory_space<vmem>>
        %dma_start3A_243 = tpu.memref_squeeze %dma_start3A_242 : memref<1x128xi32, #tpu.memory_space<vmem>> -> memref<128xi32, #tpu.memory_space<vmem>>
        %dma_start3A_244 = arith.constant 0 : i32
        %dma_start3A_245 = arith.constant 0 : i32
        %dma_start3A_246 = tpu.memref_slice %arg11[%dma_start3A_244, %dma_start3A_245] : memref<10000x128xf32, #tpu.memory_space<vmem_shared>> -> memref<10000x128xf32, #tpu.memory_space<vmem_shared>>
        tpu.enqueue_indirect_dma source(%arg10 : memref<128x128xf32, #tpu.memory_space<vmem>>) target(%dma_start3A_246 : memref<10000x128xf32, #tpu.memory_space<vmem_shared>>) offsets(%dma_start3A_243 : memref<128xi32, #tpu.memory_space<vmem>>) semaphore(%run_scoped3A_240 : memref<!tpu.dma_semaphore, #tpu.memory_space<semaphore_mem>>) {add = true}
        %dma_wait3A_247 = arith.constant 0 : i32
        %dma_wait3A_248 = tpu.memref_slice %arg6[%run_scoped3A, %dma_wait3A_247] : memref<2x128xi32, #tpu.memory_space<vmem>> -> memref<1x128xi32, #tpu.memory_space<vmem>>
        %dma_wait3A_249 = tpu.memref_squeeze %dma_wait3A_248 : memref<1x128xi32, #tpu.memory_space<vmem>> -> memref<128xi32, #tpu.memory_space<vmem>>
        %dma_wait3A_250 = arith.constant 0 : i32
        %dma_wait3A_251 = arith.constant 0 : i32
        %dma_wait3A_252 = tpu.memref_slice %arg11[%dma_wait3A_250, %dma_wait3A_251] : memref<10000x128xf32, #tpu.memory_space<vmem_shared>> -> memref<10000x128xf32, #tpu.memory_space<vmem_shared>>
        tpu.wait_indirect_dma semaphore(%run_scoped3A_240 : memref<!tpu.dma_semaphore, #tpu.memory_space<semaphore_mem>>) src(%arg10 : memref<128x128xf32, #tpu.memory_space<vmem>>) dst(%dma_wait3A_252 : memref<10000x128xf32, #tpu.memory_space<vmem_shared>>)
        tpu.yield
      }) : () -> ()
    } else {
    }
    %add3A_163 = arith.constant 2528 : i32
    %add3A_164 = arith.addi %add3A_163, %add3A : i32
    %min3A_165 = arith.constant 2499 : i32
    %min3A_166 = arith.minsi %add3A_164, %min3A_165 : i32
    %mul3A_167 = arith.constant 128 : i32
    %mul3A_168 = arith.muli %min3A_166, %mul3A_167 : i32
    %multiple_of3A_169 = tpu.assume_multiple %mul3A_168, 128 : i32
    %dma_wait3A_170 = arith.constant 0 : i32
    %dma_wait3A_171 = tpu.memref_slice %arg3[%dma_wait3A_170, %multiple_of3A_169] : memref<2x320000xi32, #tpu.memory_space<hbm>> -> memref<2x128xi32, #tpu.memory_space<hbm>>
    %dma_wait3A_172 = arith.constant 0 : i32
    %dma_wait3A_173 = tpu.memref_slice %arg3[%dma_wait3A_172, %multiple_of3A_169] : memref<2x320000xi32, #tpu.memory_space<hbm>> -> memref<2x128xi32, #tpu.memory_space<hbm>>
    tpu.wait_dma2 semaphore(%arg15 : memref<!tpu.dma_semaphore, #tpu.memory_space<semaphore_mem>>) src(%dma_wait3A_173 : memref<2x128xi32, #tpu.memory_space<hbm>>) dst(%arg8 : memref<2x128xi32, #tpu.memory_space<vmem>>)
    %dma_start3A_174 = arith.constant 0 : i32
    %dma_start3A_175 = arith.constant 0 : i32
    %dma_start3A_176 = tpu.memref_slice %arg8[%dma_start3A_174, %dma_start3A_175] : memref<2x128xi32, #tpu.memory_space<vmem>> -> memref<1x128xi32, #tpu.memory_space<vmem>>
    %dma_start3A_177 = tpu.memref_squeeze %dma_start3A_176 : memref<1x128xi32, #tpu.memory_space<vmem>> -> memref<128xi32, #tpu.memory_space<vmem>>
    %dma_start3A_178 = arith.constant 0 : i32
    %dma_start3A_179 = arith.constant 0 : i32
    %dma_start3A_180 = tpu.memref_slice %arg2[%dma_start3A_178, %dma_start3A_179] : memref<10240x128xf32, #tpu.memory_space<hbm>> -> memref<10240x128xf32, #tpu.memory_space<hbm>>
    tpu.enqueue_indirect_dma source(%dma_start3A_180 : memref<10240x128xf32, #tpu.memory_space<hbm>>) target(%arg10 : memref<128x128xf32, #tpu.memory_space<vmem>>) offsets(%dma_start3A_177 : memref<128xi32, #tpu.memory_space<vmem>>) semaphore(%arg17 : memref<!tpu.dma_semaphore, #tpu.memory_space<semaphore_mem>>)
    %dma_wait3A_181 = arith.constant 0 : i32
    %dma_wait3A_182 = arith.constant 0 : i32
    %dma_wait3A_183 = tpu.memref_slice %arg7[%dma_wait3A_181, %dma_wait3A_182] : memref<2x128xi32, #tpu.memory_space<vmem>> -> memref<1x128xi32, #tpu.memory_space<vmem>>
    %dma_wait3A_184 = tpu.memref_squeeze %dma_wait3A_183 : memref<1x128xi32, #tpu.memory_space<vmem>> -> memref<128xi32, #tpu.memory_space<vmem>>
    %dma_wait3A_185 = arith.constant 0 : i32
    %dma_wait3A_186 = arith.constant 0 : i32
    %dma_wait3A_187 = tpu.memref_slice %arg2[%dma_wait3A_185, %dma_wait3A_186] : memref<10240x128xf32, #tpu.memory_space<hbm>> -> memref<10240x128xf32, #tpu.memory_space<hbm>>
    tpu.wait_indirect_dma semaphore(%arg16 : memref<!tpu.dma_semaphore, #tpu.memory_space<semaphore_mem>>) src(%dma_wait3A_187 : memref<10240x128xf32, #tpu.memory_space<hbm>>) dst(%arg9 : memref<128x128xf32, #tpu.memory_space<vmem>>)
    %gt3A_188 = arith.constant 78 : i32
    %gt3A_189 = arith.cmpi sgt, %select_n3A, %gt3A_188 : i32
    %convert_element_type3A_190 = arith.extui %gt3A_189 : i1 to i32
    %cond3A_191 = arith.constant 0 : i32
    %cond3A_192 = arith.cmpi ne, %convert_element_type3A_190, %cond3A_191 : i32
    scf.if %cond3A_192 {
      %run_scoped3A = arith.constant 1 : i32
      "tpu.region"() ({
        %run_scoped3A_240 = tpu.sem_alloc : memref<!tpu.dma_semaphore, #tpu.memory_space<semaphore_mem>>
        %dma_start3A_241 = arith.constant 0 : i32
        %dma_start3A_242 = tpu.memref_slice %arg7[%run_scoped3A, %dma_start3A_241] : memref<2x128xi32, #tpu.memory_space<vmem>> -> memref<1x128xi32, #tpu.memory_space<vmem>>
        %dma_start3A_243 = tpu.memref_squeeze %dma_start3A_242 : memref<1x128xi32, #tpu.memory_space<vmem>> -> memref<128xi32, #tpu.memory_space<vmem>>
        %dma_start3A_244 = arith.constant 0 : i32
        %dma_start3A_245 = arith.constant 0 : i32
        %dma_start3A_246 = tpu.memref_slice %arg11[%dma_start3A_244, %dma_start3A_245] : memref<10000x128xf32, #tpu.memory_space<vmem_shared>> -> memref<10000x128xf32, #tpu.memory_space<vmem_shared>>
        tpu.enqueue_indirect_dma source(%arg9 : memref<128x128xf32, #tpu.memory_space<vmem>>) target(%dma_start3A_246 : memref<10000x128xf32, #tpu.memory_space<vmem_shared>>) offsets(%dma_start3A_243 : memref<128xi32, #tpu.memory_space<vmem>>) semaphore(%run_scoped3A_240 : memref<!tpu.dma_semaphore, #tpu.memory_space<semaphore_mem>>) {add = true}
        %dma_wait3A_247 = arith.constant 0 : i32
        %dma_wait3A_248 = tpu.memref_slice %arg7[%run_scoped3A, %dma_wait3A_247] : memref<2x128xi32, #tpu.memory_space<vmem>> -> memref<1x128xi32, #tpu.memory_space<vmem>>
        %dma_wait3A_249 = tpu.memref_squeeze %dma_wait3A_248 : memref<1x128xi32, #tpu.memory_space<vmem>> -> memref<128xi32, #tpu.memory_space<vmem>>
        %dma_wait3A_250 = arith.constant 0 : i32
        %dma_wait3A_251 = arith.constant 0 : i32
        %dma_wait3A_252 = tpu.memref_slice %arg11[%dma_wait3A_250, %dma_wait3A_251] : memref<10000x128xf32, #tpu.memory_space<vmem_shared>> -> memref<10000x128xf32, #tpu.memory_space<vmem_shared>>
        tpu.wait_indirect_dma semaphore(%run_scoped3A_240 : memref<!tpu.dma_semaphore, #tpu.memory_space<semaphore_mem>>) src(%arg9 : memref<128x128xf32, #tpu.memory_space<vmem>>) dst(%dma_wait3A_252 : memref<10000x128xf32, #tpu.memory_space<vmem_shared>>)
        tpu.yield
      }) : () -> ()
    } else {
    }
    %dma_wait3A_193 = arith.constant 0 : i32
    %dma_wait3A_194 = arith.constant 0 : i32
    %dma_wait3A_195 = tpu.memref_slice %arg8[%dma_wait3A_193, %dma_wait3A_194] : memref<2x128xi32, #tpu.memory_space<vmem>> -> memref<1x128xi32, #tpu.memory_space<vmem>>
    %dma_wait3A_196 = tpu.memref_squeeze %dma_wait3A_195 : memref<1x128xi32, #tpu.memory_space<vmem>> -> memref<128xi32, #tpu.memory_space<vmem>>
    %dma_wait3A_197 = arith.constant 0 : i32
    %dma_wait3A_198 = arith.constant 0 : i32
    %dma_wait3A_199 = tpu.memref_slice %arg2[%dma_wait3A_197, %dma_wait3A_198] : memref<10240x128xf32, #tpu.memory_space<hbm>> -> memref<10240x128xf32, #tpu.memory_space<hbm>>
    tpu.wait_indirect_dma semaphore(%arg17 : memref<!tpu.dma_semaphore, #tpu.memory_space<semaphore_mem>>) src(%dma_wait3A_199 : memref<10240x128xf32, #tpu.memory_space<hbm>>) dst(%arg10 : memref<128x128xf32, #tpu.memory_space<vmem>>)
    %gt3A_200 = arith.constant 79 : i32
    %gt3A_201 = arith.cmpi sgt, %select_n3A, %gt3A_200 : i32
    %convert_element_type3A_202 = arith.extui %gt3A_201 : i1 to i32
    %cond3A_203 = arith.constant 0 : i32
    %cond3A_204 = arith.cmpi ne, %convert_element_type3A_202, %cond3A_203 : i32
    scf.if %cond3A_204 {
      %run_scoped3A = arith.constant 1 : i32
      "tpu.region"() ({
        %run_scoped3A_240 = tpu.sem_alloc : memref<!tpu.dma_semaphore, #tpu.memory_space<semaphore_mem>>
        %dma_start3A_241 = arith.constant 0 : i32
        %dma_start3A_242 = tpu.memref_slice %arg8[%run_scoped3A, %dma_start3A_241] : memref<2x128xi32, #tpu.memory_space<vmem>> -> memref<1x128xi32, #tpu.memory_space<vmem>>
        %dma_start3A_243 = tpu.memref_squeeze %dma_start3A_242 : memref<1x128xi32, #tpu.memory_space<vmem>> -> memref<128xi32, #tpu.memory_space<vmem>>
        %dma_start3A_244 = arith.constant 0 : i32
        %dma_start3A_245 = arith.constant 0 : i32
        %dma_start3A_246 = tpu.memref_slice %arg11[%dma_start3A_244, %dma_start3A_245] : memref<10000x128xf32, #tpu.memory_space<vmem_shared>> -> memref<10000x128xf32, #tpu.memory_space<vmem_shared>>
        tpu.enqueue_indirect_dma source(%arg10 : memref<128x128xf32, #tpu.memory_space<vmem>>) target(%dma_start3A_246 : memref<10000x128xf32, #tpu.memory_space<vmem_shared>>) offsets(%dma_start3A_243 : memref<128xi32, #tpu.memory_space<vmem>>) semaphore(%run_scoped3A_240 : memref<!tpu.dma_semaphore, #tpu.memory_space<semaphore_mem>>) {add = true}
        %dma_wait3A_247 = arith.constant 0 : i32
        %dma_wait3A_248 = tpu.memref_slice %arg8[%run_scoped3A, %dma_wait3A_247] : memref<2x128xi32, #tpu.memory_space<vmem>> -> memref<1x128xi32, #tpu.memory_space<vmem>>
        %dma_wait3A_249 = tpu.memref_squeeze %dma_wait3A_248 : memref<1x128xi32, #tpu.memory_space<vmem>> -> memref<128xi32, #tpu.memory_space<vmem>>
        %dma_wait3A_250 = arith.constant 0 : i32
        %dma_wait3A_251 = arith.constant 0 : i32
        %dma_wait3A_252 = tpu.memref_slice %arg11[%dma_wait3A_250, %dma_wait3A_251] : memref<10000x128xf32, #tpu.memory_space<vmem_shared>> -> memref<10000x128xf32, #tpu.memory_space<vmem_shared>>
        tpu.wait_indirect_dma semaphore(%run_scoped3A_240 : memref<!tpu.dma_semaphore, #tpu.memory_space<semaphore_mem>>) src(%arg10 : memref<128x128xf32, #tpu.memory_space<vmem>>) dst(%dma_wait3A_252 : memref<10000x128xf32, #tpu.memory_space<vmem_shared>>)
        tpu.yield
      }) : () -> ()
    } else {
    }
    %barrier3A_205 = arith.constant 0 : index
    tpu.barrier barrier_id(%barrier3A_205)
    %mul3A_206 = arith.constant 625 : i32
    %mul3A_207 = arith.muli %arg1, %mul3A_206 : i32
    %jit3A_208 = arith.constant 8 : i32
    %div3A_209 = arith.divsi %mul3A_207, %jit3A_208 : i32
    %sign3A_210 = arith.constant 0 : i32
    %sign3A_211 = arith.cmpi sgt, %mul3A_207, %sign3A_210 : i32
    %sign3A_212 = arith.extui %sign3A_211 : i1 to i32
    %sign3A_213 = arith.constant 0 : i32
    %sign3A_214 = arith.cmpi slt, %mul3A_207, %sign3A_213 : i32
    %sign3A_215 = arith.extui %sign3A_214 : i1 to i32
    %sign3A_216 = arith.subi %sign3A_212, %sign3A_215 : i32
    %sign3A_217 = arith.constant 0 : i32
    %sign3A_218 = arith.cmpi sgt, %jit3A_208, %sign3A_217 : i32
    %sign3A_219 = arith.extui %sign3A_218 : i1 to i32
    %sign3A_220 = arith.constant 0 : i32
    %sign3A_221 = arith.cmpi slt, %jit3A_208, %sign3A_220 : i32
    %sign3A_222 = arith.extui %sign3A_221 : i1 to i32
    %sign3A_223 = arith.subi %sign3A_219, %sign3A_222 : i32
    %ne3A_224 = arith.cmpi ne, %sign3A_216, %sign3A_223 : i32
    %rem3A_225 = arith.remsi %mul3A_207, %jit3A_208 : i32
    %ne3A_226 = arith.constant 0 : i32
    %ne3A_227 = arith.cmpi ne, %rem3A_225, %ne3A_226 : i32
    %and3A_228 = arith.andi %ne3A_224, %ne3A_227 : i1
    %sub3A_229 = arith.constant 1 : i32
    %sub3A_230 = arith.subi %div3A_209, %sub3A_229 : i32
    %select_n3A_231 = arith.select %and3A_228, %sub3A_230, %div3A_209 : i32
    %mul3A_232 = arith.constant 8 : i32
    %mul3A_233 = arith.muli %select_n3A_231, %mul3A_232 : i32
    %multiple_of3A_234 = tpu.assume_multiple %mul3A_233, 8 : i32
    %min3A_235 = arith.constant 9368 : i32
    %min3A_236 = arith.minsi %multiple_of3A_234, %min3A_235 : i32
    %mul3A_237 = arith.constant 10240 : i32
    %mul3A_238 = arith.muli %arg0, %mul3A_237 : i32
    %add3A_239 = arith.addi %mul3A_238, %min3A_236 : i32
    "tpu.region"() ({
      %run_scoped3A = tpu.sem_alloc : memref<!tpu.dma_semaphore, #tpu.memory_space<semaphore_mem>>
      %dma_start3A_240 = arith.constant 0 : i32
      %dma_start3A_241 = tpu.memref_slice %arg4[%add3A_239, %dma_start3A_240] : memref<20480x128xf32, #tpu.memory_space<hbm>> -> memref<632x128xf32, #tpu.memory_space<hbm>>
      %dma_start3A_242 = arith.constant 0 : i32
      %dma_start3A_243 = tpu.memref_slice %arg11[%min3A_236, %dma_start3A_242] : memref<10000x128xf32, #tpu.memory_space<vmem_shared>> -> memref<632x128xf32, #tpu.memory_space<vmem_shared>>
      tpu.enqueue_dma source(%dma_start3A_243 : memref<632x128xf32, #tpu.memory_space<vmem_shared>>) target(%dma_start3A_241 : memref<632x128xf32, #tpu.memory_space<hbm>>) target_semaphore(%run_scoped3A : memref<!tpu.dma_semaphore, #tpu.memory_space<semaphore_mem>>)
      %dma_wait3A_244 = arith.constant 0 : i32
      %dma_wait3A_245 = tpu.memref_slice %arg4[%add3A_239, %dma_wait3A_244] : memref<20480x128xf32, #tpu.memory_space<hbm>> -> memref<632x128xf32, #tpu.memory_space<hbm>>
      %dma_wait3A_246 = arith.constant 0 : i32
      %dma_wait3A_247 = tpu.memref_slice %arg11[%min3A_236, %dma_wait3A_246] : memref<10000x128xf32, #tpu.memory_space<vmem_shared>> -> memref<632x128xf32, #tpu.memory_space<vmem_shared>>
      tpu.wait_dma2 semaphore(%run_scoped3A : memref<!tpu.dma_semaphore, #tpu.memory_space<semaphore_mem>>) src(%dma_wait3A_247 : memref<632x128xf32, #tpu.memory_space<vmem_shared>>) dst(%dma_wait3A_245 : memref<632x128xf32, #tpu.memory_space<hbm>>)
      tpu.yield
    }) : () -> ()
    return
  }
}

#map = affine_map<(d0, d1) -> (0, 0)>
#map1 = affine_map<(d0, d1) -> (0)>
module attributes {stable_mosaic.version = 14 : i64} {
  func.func @deg_kernel(%arg0: i32, %arg1: i32, %arg2: memref<2x320000xi32, #tpu.memory_space<hbm>>, %arg3: memref<20480xf32, #tpu.memory_space<hbm>>, %arg4: memref<640xf32, #tpu.memory_space<vmem>>, %arg5: memref<128xf32, #tpu.memory_space<vmem>>, %arg6: memref<2x10112xi32, #tpu.memory_space<vmem>>, %arg7: memref<10240xf32, #tpu.memory_space<vmem_shared>>, %arg8: memref<!tpu.dma_semaphore, #tpu.memory_space<semaphore_mem>>) attributes {dimension_semantics = [#tpu.dimension_semantics<core_parallel>, #tpu.dimension_semantics<subcore_parallel>], iteration_bounds = array<i64: 2, 16>, scalar_prefetch = 0 : i64, scratch_operands = 5 : i64, tpu.core_type = #tpu.core_type<sc_vector_subcore>, window_params = [{transform_indices = #map}, {transform_indices = #map1}]} {
    %mul3A = arith.constant 16 : i32
    %mul3A_0 = arith.muli %arg0, %mul3A : i32
    %add3A = arith.addi %mul3A_0, %arg1 : i32
    %mul3A_1 = arith.constant 78 : i32
    %mul3A_2 = arith.muli %add3A, %mul3A_1 : i32
    %min3A = arith.constant 4 : i32
    %min3A_3 = arith.minsi %add3A, %min3A : i32
    %add3A_4 = arith.addi %mul3A_2, %min3A_3 : i32
    %lt3A = arith.constant 4 : i32
    %lt3A_5 = arith.cmpi slt, %add3A, %lt3A : i32
    %jit3A = arith.constant 1 : i32
    %jit3A_6 = arith.constant 0 : i32
    %select_n3A = arith.select %lt3A_5, %jit3A, %jit3A_6 : i32
    %add3A_7 = arith.constant 78 : i32
    %add3A_8 = arith.addi %add3A_7, %select_n3A : i32
    %min3A_9 = arith.constant 2421 : i32
    %min3A_10 = arith.minsi %add3A_4, %min3A_9 : i32
    %sub3A = arith.subi %add3A_4, %min3A_10 : i32
    %scan3A = arith.constant 0 : i32
    %scan3A_11 = arith.constant 0 : i32
    %scan3A_12 = arith.constant 40 : i32
    %scan3A_13 = arith.addi %scan3A_11, %scan3A_12 : i32
    %scan3A_14 = arith.constant 1 : i32
    %scan3A_15 = scf.for %scan3A_108 = %scan3A_11 to %scan3A_13 step %scan3A_14 iter_args(%scan3A_109 = %scan3A) -> (i32)  : i32 {
      %broadcast_in_dim3A_110 = arith.constant 0.000000e+00 : f32
      %broadcast_in_dim3A_111 = vector.broadcast %broadcast_in_dim3A_110 : f32 to vector<16xf32>
      %mul3A_112 = arith.constant 16 : i32
      %mul3A_113 = arith.muli %scan3A_108, %mul3A_112 : i32
      %swap3A_114 = arith.index_cast %mul3A_113 : i32 to index
      %swap3A_115 = tpu.vector_load %arg4[%swap3A_114] {strides = array<i32>} : memref<640xf32, #tpu.memory_space<vmem>>, vector<16xf32>,
      %swap3A_116 = vector.shape_cast %swap3A_115 : vector<16xf32> to vector<16xf32>
      %swap3A_117 = vector.shape_cast %broadcast_in_dim3A_111 : vector<16xf32> to vector<16xf32>
      tpu.vector_store %arg4[%swap3A_114], %swap3A_117 {strides = array<i32>} : memref<640xf32, #tpu.memory_space<vmem>>, vector<16xf32>,
      %scan3A_118 = arith.constant 0 : i32
      scf.yield %scan3A_118 : i32
    }
    %scan3A_16 = arith.constant 40 : i32
    %broadcast_in_dim3A = arith.constant 1.000000e+00 : f32
    %broadcast_in_dim3A_17 = vector.broadcast %broadcast_in_dim3A : f32 to vector<16xf32>
    %swap3A = arith.constant 0 : index
    %swap3A_18 = tpu.vector_load %arg5[%swap3A] {strides = array<i32>} : memref<128xf32, #tpu.memory_space<vmem>>, vector<16xf32>,
    %swap3A_19 = vector.shape_cast %swap3A_18 : vector<16xf32> to vector<16xf32>
    %swap3A_20 = vector.shape_cast %broadcast_in_dim3A_17 : vector<16xf32> to vector<16xf32>
    tpu.vector_store %arg5[%swap3A], %swap3A_20 {strides = array<i32>} : memref<128xf32, #tpu.memory_space<vmem>>, vector<16xf32>,
    %broadcast_in_dim3A_21 = arith.constant 1.000000e+00 : f32
    %broadcast_in_dim3A_22 = vector.broadcast %broadcast_in_dim3A_21 : f32 to vector<16xf32>
    %swap3A_23 = arith.constant 16 : index
    %swap3A_24 = tpu.vector_load %arg5[%swap3A_23] {strides = array<i32>} : memref<128xf32, #tpu.memory_space<vmem>>, vector<16xf32>,
    %swap3A_25 = vector.shape_cast %swap3A_24 : vector<16xf32> to vector<16xf32>
    %swap3A_26 = vector.shape_cast %broadcast_in_dim3A_22 : vector<16xf32> to vector<16xf32>
    tpu.vector_store %arg5[%swap3A_23], %swap3A_26 {strides = array<i32>} : memref<128xf32, #tpu.memory_space<vmem>>, vector<16xf32>,
    %broadcast_in_dim3A_27 = arith.constant 1.000000e+00 : f32
    %broadcast_in_dim3A_28 = vector.broadcast %broadcast_in_dim3A_27 : f32 to vector<16xf32>
    %swap3A_29 = arith.constant 32 : index
    %swap3A_30 = tpu.vector_load %arg5[%swap3A_29] {strides = array<i32>} : memref<128xf32, #tpu.memory_space<vmem>>, vector<16xf32>,
    %swap3A_31 = vector.shape_cast %swap3A_30 : vector<16xf32> to vector<16xf32>
    %swap3A_32 = vector.shape_cast %broadcast_in_dim3A_28 : vector<16xf32> to vector<16xf32>
    tpu.vector_store %arg5[%swap3A_29], %swap3A_32 {strides = array<i32>} : memref<128xf32, #tpu.memory_space<vmem>>, vector<16xf32>,
    %broadcast_in_dim3A_33 = arith.constant 1.000000e+00 : f32
    %broadcast_in_dim3A_34 = vector.broadcast %broadcast_in_dim3A_33 : f32 to vector<16xf32>
    %swap3A_35 = arith.constant 48 : index
    %swap3A_36 = tpu.vector_load %arg5[%swap3A_35] {strides = array<i32>} : memref<128xf32, #tpu.memory_space<vmem>>, vector<16xf32>,
    %swap3A_37 = vector.shape_cast %swap3A_36 : vector<16xf32> to vector<16xf32>
    %swap3A_38 = vector.shape_cast %broadcast_in_dim3A_34 : vector<16xf32> to vector<16xf32>
    tpu.vector_store %arg5[%swap3A_35], %swap3A_38 {strides = array<i32>} : memref<128xf32, #tpu.memory_space<vmem>>, vector<16xf32>,
    %broadcast_in_dim3A_39 = arith.constant 1.000000e+00 : f32
    %broadcast_in_dim3A_40 = vector.broadcast %broadcast_in_dim3A_39 : f32 to vector<16xf32>
    %swap3A_41 = arith.constant 64 : index
    %swap3A_42 = tpu.vector_load %arg5[%swap3A_41] {strides = array<i32>} : memref<128xf32, #tpu.memory_space<vmem>>, vector<16xf32>,
    %swap3A_43 = vector.shape_cast %swap3A_42 : vector<16xf32> to vector<16xf32>
    %swap3A_44 = vector.shape_cast %broadcast_in_dim3A_40 : vector<16xf32> to vector<16xf32>
    tpu.vector_store %arg5[%swap3A_41], %swap3A_44 {strides = array<i32>} : memref<128xf32, #tpu.memory_space<vmem>>, vector<16xf32>,
    %broadcast_in_dim3A_45 = arith.constant 1.000000e+00 : f32
    %broadcast_in_dim3A_46 = vector.broadcast %broadcast_in_dim3A_45 : f32 to vector<16xf32>
    %swap3A_47 = arith.constant 80 : index
    %swap3A_48 = tpu.vector_load %arg5[%swap3A_47] {strides = array<i32>} : memref<128xf32, #tpu.memory_space<vmem>>, vector<16xf32>,
    %swap3A_49 = vector.shape_cast %swap3A_48 : vector<16xf32> to vector<16xf32>
    %swap3A_50 = vector.shape_cast %broadcast_in_dim3A_46 : vector<16xf32> to vector<16xf32>
    tpu.vector_store %arg5[%swap3A_47], %swap3A_50 {strides = array<i32>} : memref<128xf32, #tpu.memory_space<vmem>>, vector<16xf32>,
    %broadcast_in_dim3A_51 = arith.constant 1.000000e+00 : f32
    %broadcast_in_dim3A_52 = vector.broadcast %broadcast_in_dim3A_51 : f32 to vector<16xf32>
    %swap3A_53 = arith.constant 96 : index
    %swap3A_54 = tpu.vector_load %arg5[%swap3A_53] {strides = array<i32>} : memref<128xf32, #tpu.memory_space<vmem>>, vector<16xf32>,
    %swap3A_55 = vector.shape_cast %swap3A_54 : vector<16xf32> to vector<16xf32>
    %swap3A_56 = vector.shape_cast %broadcast_in_dim3A_52 : vector<16xf32> to vector<16xf32>
    tpu.vector_store %arg5[%swap3A_53], %swap3A_56 {strides = array<i32>} : memref<128xf32, #tpu.memory_space<vmem>>, vector<16xf32>,
    %broadcast_in_dim3A_57 = arith.constant 1.000000e+00 : f32
    %broadcast_in_dim3A_58 = vector.broadcast %broadcast_in_dim3A_57 : f32 to vector<16xf32>
    %swap3A_59 = arith.constant 112 : index
    %swap3A_60 = tpu.vector_load %arg5[%swap3A_59] {strides = array<i32>} : memref<128xf32, #tpu.memory_space<vmem>>, vector<16xf32>,
    %swap3A_61 = vector.shape_cast %swap3A_60 : vector<16xf32> to vector<16xf32>
    %swap3A_62 = vector.shape_cast %broadcast_in_dim3A_58 : vector<16xf32> to vector<16xf32>
    tpu.vector_store %arg5[%swap3A_59], %swap3A_62 {strides = array<i32>} : memref<128xf32, #tpu.memory_space<vmem>>, vector<16xf32>,
    %mul3A_63 = arith.constant 128 : i32
    %mul3A_64 = arith.muli %min3A_10, %mul3A_63 : i32
    %multiple_of3A = tpu.assume_multiple %mul3A_64, 128 : i32
    %dma_start3A = arith.constant 0 : i32
    %dma_start3A_65 = tpu.memref_slice %arg2[%dma_start3A, %multiple_of3A] : memref<2x320000xi32, #tpu.memory_space<hbm>> -> memref<2x10112xi32, #tpu.memory_space<hbm>>
    %dma_start3A_66 = arith.constant 0 : i32
    %dma_start3A_67 = tpu.memref_slice %arg2[%dma_start3A_66, %multiple_of3A] : memref<2x320000xi32, #tpu.memory_space<hbm>> -> memref<2x10112xi32, #tpu.memory_space<hbm>>
    tpu.enqueue_dma source(%dma_start3A_67 : memref<2x10112xi32, #tpu.memory_space<hbm>>) target(%arg6 : memref<2x10112xi32, #tpu.memory_space<vmem>>) target_semaphore(%arg8 : memref<!tpu.dma_semaphore, #tpu.memory_space<semaphore_mem>>)
    %mul3A_68 = arith.constant 640 : i32
    %mul3A_69 = arith.muli %arg1, %mul3A_68 : i32
    "tpu.region"() ({
      %run_scoped3A = tpu.sem_alloc : memref<!tpu.dma_semaphore, #tpu.memory_space<semaphore_mem>>
      %dma_start3A_108 = tpu.memref_slice %arg7[%mul3A_69] : memref<10240xf32, #tpu.memory_space<vmem_shared>> -> memref<640xf32, #tpu.memory_space<vmem_shared>>
      %dma_start3A_109 = tpu.memref_slice %arg7[%mul3A_69] : memref<10240xf32, #tpu.memory_space<vmem_shared>> -> memref<640xf32, #tpu.memory_space<vmem_shared>>
      tpu.enqueue_dma source(%arg4 : memref<640xf32, #tpu.memory_space<vmem>>) target(%dma_start3A_109 : memref<640xf32, #tpu.memory_space<vmem_shared>>) target_semaphore(%run_scoped3A : memref<!tpu.dma_semaphore, #tpu.memory_space<semaphore_mem>>)
      %dma_wait3A_110 = tpu.memref_slice %arg7[%mul3A_69] : memref<10240xf32, #tpu.memory_space<vmem_shared>> -> memref<640xf32, #tpu.memory_space<vmem_shared>>
      %dma_wait3A_111 = tpu.memref_slice %arg7[%mul3A_69] : memref<10240xf32, #tpu.memory_space<vmem_shared>> -> memref<640xf32, #tpu.memory_space<vmem_shared>>
      tpu.wait_dma2 semaphore(%run_scoped3A : memref<!tpu.dma_semaphore, #tpu.memory_space<semaphore_mem>>) src(%arg4 : memref<640xf32, #tpu.memory_space<vmem>>) dst(%dma_wait3A_111 : memref<640xf32, #tpu.memory_space<vmem_shared>>)
      tpu.yield
    }) : () -> ()
    %dma_wait3A = arith.constant 0 : i32
    %dma_wait3A_70 = tpu.memref_slice %arg2[%dma_wait3A, %multiple_of3A] : memref<2x320000xi32, #tpu.memory_space<hbm>> -> memref<2x10112xi32, #tpu.memory_space<hbm>>
    %dma_wait3A_71 = arith.constant 0 : i32
    %dma_wait3A_72 = tpu.memref_slice %arg2[%dma_wait3A_71, %multiple_of3A] : memref<2x320000xi32, #tpu.memory_space<hbm>> -> memref<2x10112xi32, #tpu.memory_space<hbm>>
    tpu.wait_dma2 semaphore(%arg8 : memref<!tpu.dma_semaphore, #tpu.memory_space<semaphore_mem>>) src(%dma_wait3A_72 : memref<2x10112xi32, #tpu.memory_space<hbm>>) dst(%arg6 : memref<2x10112xi32, #tpu.memory_space<vmem>>)
    %barrier3A = arith.constant 0 : index
    tpu.barrier barrier_id(%barrier3A)
    %while3A = arith.constant 1 : i32
    %while3A_73 = arith.constant 0 : i32
    %while3A_74 = arith.constant 0 : i32
    %while3A_75 = arith.subi %add3A_8, %while3A_73 : i32
    %while3A_76 = arith.addi %while3A_73, %while3A_75 : i32
    %while3A_77 = arith.constant 1 : i32
    %while3A_78 = arith.divsi %while3A_75, %while3A_77 : i32
    %while3A_79 = arith.muli %while3A_78, %while3A_77 : i32
    %while3A_80 = arith.addi %while3A_73, %while3A_79 : i32
    %while3A_81 = arith.constant 1 : i32
    %while3A_82 = scf.for %while3A_108 = %while3A_73 to %while3A_80 step %while3A_81 iter_args(%while3A_109 = %while3A_74) -> (i32)  : i32 {
      %add3A_110 = arith.addi %sub3A, %while3A_108 : i32
      %mul3A_111 = arith.constant 128 : i32
      %mul3A_112 = arith.muli %add3A_110, %mul3A_111 : i32
      %multiple_of3A_113 = tpu.assume_multiple %mul3A_112, 128 : i32
      %dma_start3A_114 = arith.constant 0 : i32
      %dma_start3A_115 = tpu.memref_slice %arg6[%while3A, %dma_start3A_114] : memref<2x10112xi32, #tpu.memory_space<vmem>> -> memref<1x10112xi32, #tpu.memory_space<vmem>>
      %dma_start3A_116 = tpu.memref_squeeze %dma_start3A_115 : memref<1x10112xi32, #tpu.memory_space<vmem>> -> memref<10112xi32, #tpu.memory_space<vmem>>
      %dma_start3A_117 = tpu.memref_slice %dma_start3A_116[%multiple_of3A_113] : memref<10112xi32, #tpu.memory_space<vmem>> -> memref<128xi32, #tpu.memory_space<vmem>>
      %dma_start3A_118 = arith.constant 0 : i32
      %dma_start3A_119 = tpu.memref_slice %arg7[%dma_start3A_118] : memref<10240xf32, #tpu.memory_space<vmem_shared>> -> memref<10240xf32, #tpu.memory_space<vmem_shared>>
      tpu.enqueue_indirect_dma source(%arg5 : memref<128xf32, #tpu.memory_space<vmem>>) target(%dma_start3A_119 : memref<10240xf32, #tpu.memory_space<vmem_shared>>) offsets(%dma_start3A_117 : memref<128xi32, #tpu.memory_space<vmem>>) semaphore(%arg8 : memref<!tpu.dma_semaphore, #tpu.memory_space<semaphore_mem>>) {add = true}
      %ge3A = arith.constant 10 : i32
      %ge3A_120 = arith.cmpi sge, %while3A_108, %ge3A : i32
      %convert_element_type3A = arith.extui %ge3A_120 : i1 to i32
      %cond3A = arith.constant 0 : i32
      %cond3A_121 = arith.cmpi ne, %convert_element_type3A, %cond3A : i32
      scf.if %cond3A_121 {
        %add3A_123 = arith.addi %sub3A, %while3A_108 : i32
        %mul3A_124 = arith.constant 128 : i32
        %mul3A_125 = arith.muli %add3A_123, %mul3A_124 : i32
        %multiple_of3A_126 = tpu.assume_multiple %mul3A_125, 128 : i32
        %dma_wait3A_127 = arith.constant 0 : i32
        %dma_wait3A_128 = tpu.memref_slice %arg6[%while3A, %dma_wait3A_127] : memref<2x10112xi32, #tpu.memory_space<vmem>> -> memref<1x10112xi32, #tpu.memory_space<vmem>>
        %dma_wait3A_129 = tpu.memref_squeeze %dma_wait3A_128 : memref<1x10112xi32, #tpu.memory_space<vmem>> -> memref<10112xi32, #tpu.memory_space<vmem>>
        %dma_wait3A_130 = tpu.memref_slice %dma_wait3A_129[%multiple_of3A_126] : memref<10112xi32, #tpu.memory_space<vmem>> -> memref<128xi32, #tpu.memory_space<vmem>>
        %dma_wait3A_131 = arith.constant 0 : i32
        %dma_wait3A_132 = tpu.memref_slice %arg7[%dma_wait3A_131] : memref<10240xf32, #tpu.memory_space<vmem_shared>> -> memref<10240xf32, #tpu.memory_space<vmem_shared>>
        tpu.wait_indirect_dma semaphore(%arg8 : memref<!tpu.dma_semaphore, #tpu.memory_space<semaphore_mem>>) src(%arg5 : memref<128xf32, #tpu.memory_space<vmem>>) dst(%dma_wait3A_132 : memref<10240xf32, #tpu.memory_space<vmem_shared>>)
      } else {
      }
      %while3A_122 = arith.constant 0 : i32
      scf.yield %while3A_122 : i32
    }
    %while3A_83 = arith.constant 1 : i32
    %while3A_84 = scf.for %while3A_108 = %while3A_80 to %while3A_76 step %while3A_83 iter_args(%while3A_109 = %while3A_82) -> (i32)  : i32 {
      %add3A_110 = arith.addi %sub3A, %while3A_108 : i32
      %mul3A_111 = arith.constant 128 : i32
      %mul3A_112 = arith.muli %add3A_110, %mul3A_111 : i32
      %multiple_of3A_113 = tpu.assume_multiple %mul3A_112, 128 : i32
      %dma_start3A_114 = arith.constant 0 : i32
      %dma_start3A_115 = tpu.memref_slice %arg6[%while3A, %dma_start3A_114] : memref<2x10112xi32, #tpu.memory_space<vmem>> -> memref<1x10112xi32, #tpu.memory_space<vmem>>
      %dma_start3A_116 = tpu.memref_squeeze %dma_start3A_115 : memref<1x10112xi32, #tpu.memory_space<vmem>> -> memref<10112xi32, #tpu.memory_space<vmem>>
      %dma_start3A_117 = tpu.memref_slice %dma_start3A_116[%multiple_of3A_113] : memref<10112xi32, #tpu.memory_space<vmem>> -> memref<128xi32, #tpu.memory_space<vmem>>
      %dma_start3A_118 = arith.constant 0 : i32
      %dma_start3A_119 = tpu.memref_slice %arg7[%dma_start3A_118] : memref<10240xf32, #tpu.memory_space<vmem_shared>> -> memref<10240xf32, #tpu.memory_space<vmem_shared>>
      tpu.enqueue_indirect_dma source(%arg5 : memref<128xf32, #tpu.memory_space<vmem>>) target(%dma_start3A_119 : memref<10240xf32, #tpu.memory_space<vmem_shared>>) offsets(%dma_start3A_117 : memref<128xi32, #tpu.memory_space<vmem>>) semaphore(%arg8 : memref<!tpu.dma_semaphore, #tpu.memory_space<semaphore_mem>>) {add = true}
      %ge3A = arith.constant 10 : i32
      %ge3A_120 = arith.cmpi sge, %while3A_108, %ge3A : i32
      %convert_element_type3A = arith.extui %ge3A_120 : i1 to i32
      %cond3A = arith.constant 0 : i32
      %cond3A_121 = arith.cmpi ne, %convert_element_type3A, %cond3A : i32
      scf.if %cond3A_121 {
        %add3A_123 = arith.addi %sub3A, %while3A_108 : i32
        %mul3A_124 = arith.constant 128 : i32
        %mul3A_125 = arith.muli %add3A_123, %mul3A_124 : i32
        %multiple_of3A_126 = tpu.assume_multiple %mul3A_125, 128 : i32
        %dma_wait3A_127 = arith.constant 0 : i32
        %dma_wait3A_128 = tpu.memref_slice %arg6[%while3A, %dma_wait3A_127] : memref<2x10112xi32, #tpu.memory_space<vmem>> -> memref<1x10112xi32, #tpu.memory_space<vmem>>
        %dma_wait3A_129 = tpu.memref_squeeze %dma_wait3A_128 : memref<1x10112xi32, #tpu.memory_space<vmem>> -> memref<10112xi32, #tpu.memory_space<vmem>>
        %dma_wait3A_130 = tpu.memref_slice %dma_wait3A_129[%multiple_of3A_126] : memref<10112xi32, #tpu.memory_space<vmem>> -> memref<128xi32, #tpu.memory_space<vmem>>
        %dma_wait3A_131 = arith.constant 0 : i32
        %dma_wait3A_132 = tpu.memref_slice %arg7[%dma_wait3A_131] : memref<10240xf32, #tpu.memory_space<vmem_shared>> -> memref<10240xf32, #tpu.memory_space<vmem_shared>>
        tpu.wait_indirect_dma semaphore(%arg8 : memref<!tpu.dma_semaphore, #tpu.memory_space<semaphore_mem>>) src(%arg5 : memref<128xf32, #tpu.memory_space<vmem>>) dst(%dma_wait3A_132 : memref<10240xf32, #tpu.memory_space<vmem_shared>>)
      } else {
      }
      %while3A_122 = arith.constant 0 : i32
      scf.yield %while3A_122 : i32
    }
    %min3A_85 = arith.constant 10 : i32
    %min3A_86 = arith.minsi %add3A_8, %min3A_85 : i32
    %while3A_87 = arith.constant 1 : i32
    %while3A_88 = arith.constant 0 : i32
    %while3A_89 = arith.constant 0 : i32
    %while3A_90 = arith.subi %min3A_86, %while3A_88 : i32
    %while3A_91 = arith.addi %while3A_88, %while3A_90 : i32
    %while3A_92 = arith.constant 1 : i32
    %while3A_93 = arith.divsi %while3A_90, %while3A_92 : i32
    %while3A_94 = arith.muli %while3A_93, %while3A_92 : i32
    %while3A_95 = arith.addi %while3A_88, %while3A_94 : i32
    %while3A_96 = arith.constant 1 : i32
    %while3A_97 = scf.for %while3A_108 = %while3A_88 to %while3A_95 step %while3A_96 iter_args(%while3A_109 = %while3A_89) -> (i32)  : i32 {
      %add3A_110 = arith.constant 0 : i32
      %add3A_111 = arith.addi %sub3A, %add3A_110 : i32
      %mul3A_112 = arith.constant 128 : i32
      %mul3A_113 = arith.muli %add3A_111, %mul3A_112 : i32
      %multiple_of3A_114 = tpu.assume_multiple %mul3A_113, 128 : i32
      %dma_wait3A_115 = arith.constant 0 : i32
      %dma_wait3A_116 = tpu.memref_slice %arg6[%while3A_87, %dma_wait3A_115] : memref<2x10112xi32, #tpu.memory_space<vmem>> -> memref<1x10112xi32, #tpu.memory_space<vmem>>
      %dma_wait3A_117 = tpu.memref_squeeze %dma_wait3A_116 : memref<1x10112xi32, #tpu.memory_space<vmem>> -> memref<10112xi32, #tpu.memory_space<vmem>>
      %dma_wait3A_118 = tpu.memref_slice %dma_wait3A_117[%multiple_of3A_114] : memref<10112xi32, #tpu.memory_space<vmem>> -> memref<128xi32, #tpu.memory_space<vmem>>
      %dma_wait3A_119 = arith.constant 0 : i32
      %dma_wait3A_120 = tpu.memref_slice %arg7[%dma_wait3A_119] : memref<10240xf32, #tpu.memory_space<vmem_shared>> -> memref<10240xf32, #tpu.memory_space<vmem_shared>>
      tpu.wait_indirect_dma semaphore(%arg8 : memref<!tpu.dma_semaphore, #tpu.memory_space<semaphore_mem>>) src(%arg5 : memref<128xf32, #tpu.memory_space<vmem>>) dst(%dma_wait3A_120 : memref<10240xf32, #tpu.memory_space<vmem_shared>>)
      %while3A_121 = arith.constant 0 : i32
      scf.yield %while3A_121 : i32
    }
    %while3A_98 = arith.constant 1 : i32
    %while3A_99 = scf.for %while3A_108 = %while3A_95 to %while3A_91 step %while3A_98 iter_args(%while3A_109 = %while3A_97) -> (i32)  : i32 {
      %add3A_110 = arith.constant 0 : i32
      %add3A_111 = arith.addi %sub3A, %add3A_110 : i32
      %mul3A_112 = arith.constant 128 : i32
      %mul3A_113 = arith.muli %add3A_111, %mul3A_112 : i32
      %multiple_of3A_114 = tpu.assume_multiple %mul3A_113, 128 : i32
      %dma_wait3A_115 = arith.constant 0 : i32
      %dma_wait3A_116 = tpu.memref_slice %arg6[%while3A_87, %dma_wait3A_115] : memref<2x10112xi32, #tpu.memory_space<vmem>> -> memref<1x10112xi32, #tpu.memory_space<vmem>>
      %dma_wait3A_117 = tpu.memref_squeeze %dma_wait3A_116 : memref<1x10112xi32, #tpu.memory_space<vmem>> -> memref<10112xi32, #tpu.memory_space<vmem>>
      %dma_wait3A_118 = tpu.memref_slice %dma_wait3A_117[%multiple_of3A_114] : memref<10112xi32, #tpu.memory_space<vmem>> -> memref<128xi32, #tpu.memory_space<vmem>>
      %dma_wait3A_119 = arith.constant 0 : i32
      %dma_wait3A_120 = tpu.memref_slice %arg7[%dma_wait3A_119] : memref<10240xf32, #tpu.memory_space<vmem_shared>> -> memref<10240xf32, #tpu.memory_space<vmem_shared>>
      tpu.wait_indirect_dma semaphore(%arg8 : memref<!tpu.dma_semaphore, #tpu.memory_space<semaphore_mem>>) src(%arg5 : memref<128xf32, #tpu.memory_space<vmem>>) dst(%dma_wait3A_120 : memref<10240xf32, #tpu.memory_space<vmem_shared>>)
      %while3A_121 = arith.constant 0 : i32
      scf.yield %while3A_121 : i32
    }
    %barrier3A_100 = arith.constant 0 : index
    tpu.barrier barrier_id(%barrier3A_100)
    %mul3A_101 = arith.constant 640 : i32
    %mul3A_102 = arith.muli %arg1, %mul3A_101 : i32
    %mul3A_103 = arith.constant 10240 : i32
    %mul3A_104 = arith.muli %arg0, %mul3A_103 : i32
    %mul3A_105 = arith.constant 640 : i32
    %mul3A_106 = arith.muli %arg1, %mul3A_105 : i32
    %add3A_107 = arith.addi %mul3A_104, %mul3A_106 : i32
    "tpu.region"() ({
      %run_scoped3A = tpu.sem_alloc : memref<!tpu.dma_semaphore, #tpu.memory_space<semaphore_mem>>
      %dma_start3A_108 = tpu.memref_slice %arg3[%add3A_107] : memref<20480xf32, #tpu.memory_space<hbm>> -> memref<640xf32, #tpu.memory_space<hbm>>
      %dma_start3A_109 = tpu.memref_slice %arg7[%mul3A_102] : memref<10240xf32, #tpu.memory_space<vmem_shared>> -> memref<640xf32, #tpu.memory_space<vmem_shared>>
      tpu.enqueue_dma source(%dma_start3A_109 : memref<640xf32, #tpu.memory_space<vmem_shared>>) target(%dma_start3A_108 : memref<640xf32, #tpu.memory_space<hbm>>) target_semaphore(%run_scoped3A : memref<!tpu.dma_semaphore, #tpu.memory_space<semaphore_mem>>)
      %dma_wait3A_110 = tpu.memref_slice %arg3[%add3A_107] : memref<20480xf32, #tpu.memory_space<hbm>> -> memref<640xf32, #tpu.memory_space<hbm>>
      %dma_wait3A_111 = tpu.memref_slice %arg7[%mul3A_102] : memref<10240xf32, #tpu.memory_space<vmem_shared>> -> memref<640xf32, #tpu.memory_space<vmem_shared>>
      tpu.wait_dma2 semaphore(%run_scoped3A : memref<!tpu.dma_semaphore, #tpu.memory_space<semaphore_mem>>) src(%dma_wait3A_111 : memref<640xf32, #tpu.memory_space<vmem_shared>>) dst(%dma_wait3A_110 : memref<640xf32, #tpu.memory_space<hbm>>)
      tpu.yield
    }) : () -> ()
    return
  }
}

module attributes {stable_mosaic.version = 14 : i64} {
  func.func @_g_body(%arg0: i32, %arg1: memref<2048x128xf32, #tpu.memory_space<vmem>>, %arg2: memref<128x128xf32, #tpu.memory_space<vmem>>, %arg3: memref<2x2048xf32, #tpu.memory_space<vmem>>, %arg4: memref<2048x128xf32, #tpu.memory_space<vmem>>) attributes {dimension_semantics = [#tpu.dimension_semantics<arbitrary>], iteration_bounds = array<i64: 5>, scalar_prefetch = 0 : i64, scratch_operands = 0 : i64, tpu.core_type = #tpu.core_type<tc>, window_params = [{transform_indices = @transform_0, window_bounds = array<i64: 2048, 128>}, {pipeline_mode = #tpu.pipeline_mode<synchronous>, transform_indices = @transform_1, window_bounds = array<i64: 128, 128>}, {transform_indices = @transform_2, window_bounds = array<i64: 2, 2048>}, {transform_indices = @transform_3, window_bounds = array<i64: 2048, 128>}]} {
    %get3A = arith.constant 0 : index
    %get3A_0 = arith.constant 0 : index
    %get3A_1 = vector.load %arg1[%get3A, %get3A_0] : memref<2048x128xf32, #tpu.memory_space<vmem>>, vector<2048x128xf32>
    %get3A_2 = arith.constant 0 : index
    %get3A_3 = arith.constant 0 : index
    %get3A_4 = vector.load %arg2[%get3A_2, %get3A_3] : memref<128x128xf32, #tpu.memory_space<vmem>>, vector<128x128xf32>
    %dot_general3A = arith.constant dense<0.000000e+00> : vector<2048x128xf32>
    %dot_general3A_5 = tpu.matmul %get3A_1, %get3A_4, %dot_general3A {dimension_numbers = #tpu.dot_dimension_numbers<[1], [1], [0], [0], [0, 0, 1, 0], [], []>, transpose_lhs_hint = false} : vector<2048x128xf32>, vector<128x128xf32>, vector<2048x128xf32> -> vector<2048x128xf32>
    %get3A_6 = arith.constant 0 : index
    %get3A_7 = arith.constant 0 : index
    %get3A_8 = vector.load %arg3[%get3A_6, %get3A_7] : memref<2x2048xf32, #tpu.memory_space<vmem>>, vector<1x2048xf32>
    %get3A_9 = arith.constant 1 : index
    %get3A_10 = arith.constant 0 : index
    %get3A_11 = vector.load %arg3[%get3A_9, %get3A_10] : memref<2x2048xf32, #tpu.memory_space<vmem>>, vector<1x2048xf32>
    %add3A = arith.addf %get3A_8, %get3A_11 : vector<1x2048xf32>
    %add3A_12 = arith.constant 1.000000e+00 : f32
    %add3A_13 = vector.broadcast %add3A_12 : f32 to vector<1x2048xf32>
    %add3A_14 = arith.addf %add3A, %add3A_13 : vector<1x2048xf32>
    %rsqrt3A = math.rsqrt %add3A_14 : vector<1x2048xf32>
    %transpose3A = tpu.transpose %rsqrt3A, [1, 0] : vector<1x2048xf32> -> vector<2048x1xf32>
    %mul3A = vector.broadcast %transpose3A : vector<2048x1xf32> to vector<2048x128xf32>
    %mul3A_15 = arith.mulf %mul3A, %dot_general3A_5 : vector<2048x128xf32>
    %swap3A = arith.constant 0 : index
    %swap3A_16 = arith.constant 0 : index
    %swap3A_17 = vector.load %arg4[%swap3A, %swap3A_16] : memref<2048x128xf32, #tpu.memory_space<vmem>>, vector<2048x128xf32>
    tpu.vector_store %arg4[%swap3A, %swap3A_16], %mul3A_15 {strides = array<i32>} : memref<2048x128xf32, #tpu.memory_space<vmem>>, vector<2048x128xf32>,
    return
  }
  func.func @transform_0(%arg0: i32) -> (i32, i32) {
    %c0_i32 = arith.constant 0 : i32
    %c0_i32_0 = arith.constant 0 : i32
    return %arg0, %c0_i32 : i32, i32
  }
  func.func @transform_1(%arg0: i32) -> (i32, i32) {
    %c0_i32 = arith.constant 0 : i32
    %c0_i32_0 = arith.constant 0 : i32
    %c0_i32_1 = arith.constant 0 : i32
    return %c0_i32, %c0_i32_0 : i32, i32
  }
  func.func @transform_2(%arg0: i32) -> (i32, i32) {
    %c0_i32 = arith.constant 0 : i32
    %c0_i32_0 = arith.constant 0 : i32
    return %c0_i32, %arg0 : i32, i32
  }
  func.func @transform_3(%arg0: i32) -> (i32, i32) {
    %c0_i32 = arith.constant 0 : i32
    %c0_i32_0 = arith.constant 0 : i32
    return %arg0, %c0_i32 : i32, i32
  }
}

module attributes {stable_mosaic.version = 14 : i64} {
  func.func @_fin_body(%arg0: i32, %arg1: memref<2048x128xf32, #tpu.memory_space<vmem>>, %arg2: memref<2048x128xf32, #tpu.memory_space<vmem>>, %arg3: memref<2048x128xf32, #tpu.memory_space<vmem>>, %arg4: memref<2x2048xf32, #tpu.memory_space<vmem>>, %arg5: memref<1x128xf32, #tpu.memory_space<vmem>>, %arg6: memref<1x1xf32, #tpu.memory_space<vmem>>, %arg7: memref<2048x128xf32, #tpu.memory_space<vmem>>) attributes {dimension_semantics = [#tpu.dimension_semantics<arbitrary>], iteration_bounds = array<i64: 5>, scalar_prefetch = 0 : i64, scratch_operands = 0 : i64, tpu.core_type = #tpu.core_type<tc>, window_params = [{transform_indices = @transform_0, window_bounds = array<i64: 2048, 128>}, {transform_indices = @transform_1, window_bounds = array<i64: 2048, 128>}, {transform_indices = @transform_2, window_bounds = array<i64: 2048, 128>}, {transform_indices = @transform_3, window_bounds = array<i64: 2, 2048>}, {pipeline_mode = #tpu.pipeline_mode<synchronous>, transform_indices = @transform_4, window_bounds = array<i64: 1, 128>}, {pipeline_mode = #tpu.pipeline_mode<synchronous>, transform_indices = @transform_5, window_bounds = array<i64: 1, 1>}, {transform_indices = @transform_6, window_bounds = array<i64: 2048, 128>}]} {
    %get3A = arith.constant 0 : index
    %get3A_0 = arith.constant 0 : index
    %get3A_1 = vector.load %arg1[%get3A, %get3A_0] : memref<2048x128xf32, #tpu.memory_space<vmem>>, vector<2048x128xf32>
    %get3A_2 = arith.constant 0 : index
    %get3A_3 = arith.constant 0 : index
    %get3A_4 = vector.load %arg2[%get3A_2, %get3A_3] : memref<2048x128xf32, #tpu.memory_space<vmem>>, vector<2048x128xf32>
    %add3A = arith.addf %get3A_1, %get3A_4 : vector<2048x128xf32>
    %get3A_5 = arith.constant 0 : index
    %get3A_6 = arith.constant 0 : index
    %get3A_7 = vector.load %arg3[%get3A_5, %get3A_6] : memref<2048x128xf32, #tpu.memory_space<vmem>>, vector<2048x128xf32>
    %add3A_8 = arith.addf %add3A, %get3A_7 : vector<2048x128xf32>
    %get3A_9 = arith.constant 0 : index
    %get3A_10 = arith.constant 0 : index
    %get3A_11 = vector.load %arg4[%get3A_9, %get3A_10] : memref<2x2048xf32, #tpu.memory_space<vmem>>, vector<1x2048xf32>
    %get3A_12 = arith.constant 1 : index
    %get3A_13 = arith.constant 0 : index
    %get3A_14 = vector.load %arg4[%get3A_12, %get3A_13] : memref<2x2048xf32, #tpu.memory_space<vmem>>, vector<1x2048xf32>
    %add3A_15 = arith.addf %get3A_11, %get3A_14 : vector<1x2048xf32>
    %add3A_16 = arith.constant 1.000000e+00 : f32
    %add3A_17 = vector.broadcast %add3A_16 : f32 to vector<1x2048xf32>
    %add3A_18 = arith.addf %add3A_15, %add3A_17 : vector<1x2048xf32>
    %rsqrt3A = math.rsqrt %add3A_18 : vector<1x2048xf32>
    %transpose3A = tpu.transpose %rsqrt3A, [1, 0] : vector<1x2048xf32> -> vector<2048x1xf32>
    %mul3A = vector.broadcast %transpose3A : vector<2048x1xf32> to vector<2048x128xf32>
    %mul3A_19 = arith.mulf %mul3A, %add3A_8 : vector<2048x128xf32>
    %get3A_20 = arith.constant 0 : index
    %get3A_21 = arith.constant 0 : index
    %get3A_22 = vector.load %arg5[%get3A_20, %get3A_21] : memref<1x128xf32, #tpu.memory_space<vmem>>, vector<1x128xf32>
    %add3A_23 = vector.broadcast %get3A_22 : vector<1x128xf32> to vector<2048x128xf32>
    %add3A_24 = arith.addf %mul3A_19, %add3A_23 : vector<2048x128xf32>
    %ge3A = arith.constant 0.000000e+00 : f32
    %ge3A_25 = vector.broadcast %ge3A : f32 to vector<2048x128xf32>
    %ge3A_26 = arith.cmpf oge, %add3A_24, %ge3A_25 : vector<2048x128xf32>
    %get3A_27 = arith.constant 0 : index
    %get3A_28 = arith.constant 0 : index
    %get3A_29 = vector.load %arg6[%get3A_27, %get3A_28] : memref<1x1xf32, #tpu.memory_space<vmem>>, vector<1x1xf32>
    %get3A_30 = vector.extract %get3A_29[0, 0] : f32 from vector<1x1xf32>
    %mul3A_31 = vector.broadcast %get3A_30 : f32 to vector<2048x128xf32>
    %mul3A_32 = arith.mulf %mul3A_31, %add3A_24 : vector<2048x128xf32>
    %select_n3A = arith.select %ge3A_26, %add3A_24, %mul3A_32 : vector<2048x128xi1>, vector<2048x128xf32>
    %swap3A = arith.constant 0 : index
    %swap3A_33 = arith.constant 0 : index
    %swap3A_34 = vector.load %arg7[%swap3A, %swap3A_33] : memref<2048x128xf32, #tpu.memory_space<vmem>>, vector<2048x128xf32>
    tpu.vector_store %arg7[%swap3A, %swap3A_33], %select_n3A {strides = array<i32>} : memref<2048x128xf32, #tpu.memory_space<vmem>>, vector<2048x128xf32>,
    return
  }
  func.func @transform_0(%arg0: i32) -> (i32, i32) {
    %c0_i32 = arith.constant 0 : i32
    %c0_i32_0 = arith.constant 0 : i32
    return %arg0, %c0_i32 : i32, i32
  }
  func.func @transform_1(%arg0: i32) -> (i32, i32) {
    %add3A = arith.constant 5 : i32
    %add3A_0 = arith.addi %arg0, %add3A : i32
    %c0_i32 = arith.constant 0 : i32
    %c0_i32_1 = arith.constant 0 : i32
    return %add3A_0, %c0_i32 : i32, i32
  }
  func.func @transform_2(%arg0: i32) -> (i32, i32) {
    %c0_i32 = arith.constant 0 : i32
    %c0_i32_0 = arith.constant 0 : i32
    return %arg0, %c0_i32 : i32, i32
  }
  func.func @transform_3(%arg0: i32) -> (i32, i32) {
    %c0_i32 = arith.constant 0 : i32
    %c0_i32_0 = arith.constant 0 : i32
    return %c0_i32, %arg0 : i32, i32
  }
  func.func @transform_4(%arg0: i32) -> (i32, i32) {
    %c0_i32 = arith.constant 0 : i32
    %c0_i32_0 = arith.constant 0 : i32
    %c0_i32_1 = arith.constant 0 : i32
    return %c0_i32, %c0_i32_0 : i32, i32
  }
  func.func @transform_5(%arg0: i32) -> (i32, i32) {
    %c0_i32 = arith.constant 0 : i32
    %c0_i32_0 = arith.constant 0 : i32
    %c0_i32_1 = arith.constant 0 : i32
    return %c0_i32, %c0_i32_0 : i32, i32
  }
  func.func @transform_6(%arg0: i32) -> (i32, i32) {
    %c0_i32 = arith.constant 0 : i32
    %c0_i32_0 = arith.constant 0 : i32
    return %arg0, %c0_i32 : i32, i32
  }
}

</mosaic_0001>

<sc_bundles>
// kernel: kernel.6.cloned.1.call-start
scs
__scs_entry_jumppad:
0x0: {  	(pc) =	sbr.rel $0x88, $3  }
0x1: {  	(tag) =	ssettag $0x0;
	lr =	simm.s32 $0x1  }
0x2: {  	[smem:$0x3F9C] =	sst lr;
	_ =	strace $0xD0000000  }
0x3: {  	_ = 	snop  }
0x4: {  	_ = 	snop  }
0x5: {  	_ = 	snop  }
0x6: {  	_ = 	snop  }
0x7: {  	_ = 	snop  }
__scs_overlays_trampoline_lowered:
0x8: {  	[smem:$0x3FAB] =	sst s0  }
0x9: {  	[smem:$0x3FAC] =	sst s1  }
0xa: {  	[smem:$0x3FAD] =	sst s2  }
0xb: {  	[smem:$0x3FAE] =	sst s3  }
0xc: {  	[smem:$0x3FAF] =	sst s4  }
0xd: {  	[smem:$0x3FB0] =	sst s5  }
0xe: {  	[smem:$0x3FB1] =	sst s6  }
0xf: {  	[smem:$0x3FB2] =	sst s7  }
0x10: {  	[smem:$0x3FB3] =	sst s8  }
0x11: {  	[smem:$0x3FB4] =	sst s9;
	s0 =	simm.s32 @!p0 $0x0  }
0x12: {  	s1 =	sld [smem:$0x3F9A];
	s0 =	simm.s32 @p0 $0x1  }
0x13: {  	[smem:$0x3FB5] =	sst s0;
	s0 =	simm.s32 @!p1 $0x0  }
0x14: {  	s2 =	sld [smem:$0x3F99];
	s0 =	simm.s32 @p1 $0x1  }
0x15: {  	[smem:$0x3FB6] =	sst s0;
	s0 =	simm.s32 @!p2 $0x0  }
0x16: {  	s3 =	sld [smem:$0x3FDB];
	s0 =	simm.s32 @p2 $0x1  }
0x17: {  	s4 =	simm.s32 $0x1BF5;
	[smem:$0x3FB8] =	sst s0  }
0x18: {  	s0 =	sld [smem:$0x3F9B];
	_ =	swait.ge [sflag:s4], $0x0  }
0x19: {  	s7 =	sld [smem:$0x3F9C]  }
0x1a: {  	s8 =	sadd.s32 $0xFFFFE003, lr  }
0x1b: {  	s9 =	sadd.s32 $0xFFFFFEF7, lr;
	s5 =	simm.s32 $0xFFFFFFFF;
	p2 =	slt.u32 s8, $0xFFFFF086  }
0x1c: {  	p1 =	slt.u32 s9, $0xF7A;
	s5 =	simm.s32 @!p2 $0x0  }
0x1d: {  	s5 =	simm.s32 @p1 $0x1;
	p0 =	seq.s32 s7, s2  }
0x1e: {  	s7 =	smul.u32 @!p0 $0xF7A, s2;
	p2 =	seq.s32 @!p0 s5, $0x0  }
0x1f: {  	s9 =	smul.u32 $0xF7A, s1;
	s8 =	simm.s32 @!p0 $0x1BF5;
	p2 =	por !p2, p0  }
0x20: {  	[sflag:s8] =	ssyncset.s32 @!p0 $0xFFFFF086;
	s6 =	sadd.s32 @!p0 s3, s7;
	s7 =	simm.s32 @!p0 $0x108  }
0x21: {  	s3 =	sadd.s32 s3, s9;
	s6 =	sadd.s32 @!p0 $0x88, s6;
	s7 =	simm.s32 @p2 $0x1082  }
0x22: {  	[simem:s7], [sflag:s8] =	dma.local @!p0 [hbm:s6], $0xF7A  }
0x23: {  	s9 =	sor.u32 $0xD0000000, s2;
	s6 =	simm.s32 $0x108;
	_ =	swait.ge @!p0 [sflag:s8], $0x0  }
0x24: {  	s3 =	sadd.s32 $0x88, s3;
	s6 =	simm.s32 @!p1 $0x1082;
	[sflag:s4] =	ssyncset.s32 $0xFFFFF086  }
0x25: {  	[simem:s6], [sflag:s4] =	dma.local [hbm:s3], $0xF7A  }
0x26: {  	[smem:$0x3F9C] =	sst s1;
	(tag) =	ssettag s2;
	_ =	strace s9  }
0x27: {  	s1 =	sld [smem:$0x3FAC]  }
0x28: {  	s2 =	sld [smem:$0x3FAD]  }
0x29: {  	s4 =	sld [smem:$0x3FAF]  }
0x2a: {  	p0 =	seq.s32 s5, $0x0;
	s5 =	sld [smem:$0x3FB0]  }
0x2b: {  	s6 =	sld [smem:$0x3FB1]  }
0x2c: {  	s7 =	sld [smem:$0x3FB2]  }
0x2d: {  	s3 =	simm.s32 $0x108;
	s8 =	sld [smem:$0x3FB3]  }
0x2e: {  	s3 =	simm.s32 @!p0 $0x1082;
	s9 =	sld [smem:$0x3FB4]  }
0x2f: {  	lr =	sadd.s32 s0, s3;
	s0 =	sld [smem:$0x3FAB]  }
0x30: {  	s3 =	sld [smem:$0x3FAE]  }
0x31: {  	[smem:$0x3FB7] =	sst s10  }
0x32: {  	s10 =	sld [smem:$0x3FB5];
	_ =	sdelay $0x3  }
0x33: {  	p0 =	seq.s32 s10, $0x1;
	s10 =	sld [smem:$0x3FB7];
	_ =	sdelay $0x3  }
0x34: {  	[smem:$0x3FB7] =	sst s10  }
0x35: {  	s10 =	sld [smem:$0x3FB6];
	_ =	sdelay $0x3  }
0x36: {  	p1 =	seq.s32 s10, $0x1;
	s10 =	sld [smem:$0x3FB7];
	_ =	sdelay $0x3  }
0x37: {  	[smem:$0x3FB7] =	sst s10  }
0x38: {  	s10 =	sld [smem:$0x3FB8]  }
0x39: {  	_ = 	snop;
	(pc) =	sbr.ind lr, $3  }
0x3a: {  	_ = 	snop  }
0x3b: {  	_ = 	snop  }
0x3c: {  	p2 =	seq.s32 s10, $0x1;
	s10 =	sld [smem:$0x3FB7]  }
0x3d: {  	_ =	shalt  }
0x3e: {  	_ =	shalt  }
0x3f: {  	_ =	shalt  }
0x40: {  	_ =	shalt  }
0x41: {  	_ =	shalt  }
0x42: {  	_ =	shalt  }
0x43: {  	_ =	shalt  }
0x44: {  	_ =	shalt  }
0x45: {  	_ =	shalt  }
0x46: {  	_ =	shalt  }
0x47: {  	_ =	shalt  }
0x48: {  	_ =	shalt  }
0x49: {  	_ =	shalt  }
0x4a: {  	_ =	shalt  }
0x4b: {  	_ =	shalt  }
0x4c: {  	_ =	shalt  }
0x4d: {  	_ =	shalt  }
0x4e: {  	_ =	shalt  }
0x4f: {  	_ =	shalt  }
0x50: {  	_ =	shalt  }
0x51: {  	_ =	shalt  }
0x52: {  	_ =	shalt  }
0x53: {  	_ =	shalt  }
0x54: {  	_ =	shalt  }
0x55: {  	_ =	shalt  }
0x56: {  	_ =	shalt  }
0x57: {  	_ =	shalt  }
0x58: {  	_ =	shalt  }
0x59: {  	_ =	shalt  }
0x5a: {  	_ =	shalt  }
0x5b: {  	_ =	shalt  }
0x5c: {  	_ =	shalt  }
0x5d: {  	_ =	shalt  }
0x5e: {  	_ =	shalt  }
0x5f: {  	_ =	shalt  }
0x60: {  	_ =	shalt  }
0x61: {  	_ =	shalt  }
0x62: {  	_ =	shalt  }
0x63: {  	_ =	shalt  }
0x64: {  	_ =	shalt  }
0x65: {  	_ =	shalt  }
0x66: {  	_ =	shalt  }
0x67: {  	_ =	shalt  }
0x68: {  	_ =	shalt  }
0x69: {  	_ =	shalt  }
0x6a: {  	_ =	shalt  }
0x6b: {  	_ =	shalt  }
0x6c: {  	_ =	shalt  }
0x6d: {  	_ =	shalt  }
0x6e: {  	_ =	shalt  }
0x6f: {  	_ =	shalt  }
0x70: {  	_ =	shalt  }
0x71: {  	_ =	shalt  }
0x72: {  	_ =	shalt  }
0x73: {  	_ =	shalt  }
0x74: {  	_ =	shalt  }
0x75: {  	_ =	shalt  }
0x76: {  	_ =	shalt  }
0x77: {  	_ =	shalt  }
0x78: {  	_ =	shalt  }
0x79: {  	_ =	shalt  }
0x7a: {  	_ =	shalt  }
0x7b: {  	_ =	shalt  }
0x7c: {  	_ =	shalt  }
0x7d: {  	_ =	shalt  }
0x7e: {  	_ =	shalt  }
0x7f: {  	_ =	shalt  }
0x80: {  	_ =	shalt  }
0x81: {  	_ =	shalt  }
0x82: {  	_ =	shalt  }
0x83: {  	_ =	shalt  }
0x84: {  	_ =	shalt  }
0x85: {  	_ =	shalt  }
0x86: {  	_ =	shalt  }
0x87: {  	_ =	shalt  }
.Lfunc_end0:
.L_simem_size_0:
called_computation_lowered:
.L_overlay_start_0:
0x88: {  	s2 =	sld [smem:$0x3FD9]  }
0x89: {  	s3 =	sld [smem:$0x3FFE];
	_ =	sdelay $0x1  }
0x8a: {  	s1 =	srdreg.scid  }
0x8b: {  	s0 =	sand.u32 $0x1, s1  }
0x8c: {  	s18 =	sshll.u32 s0, $0xA;
	s2 =	sadd.s32 s3, s2  }
0x8d: {  	s2 =	sadd.s32 s2, s18  }
0x8e: {  	[smem:$0x3FC3] =	sst s2  }
0x8f: {  	_ = 	snop  }
0x90: {  	s2 =	sld [smem:$0x3FC8]  }
0x91: {  	s19 =	sld [smem:$0x3FD0];
	(tm) =	ssettm $0x1  }
0x92: {  	s4 =	sld [smem:$0x3FFB];
	_ =	sdelay $0x3  }
0x93: {  	_ =	strace s4  }
0x94: {  	s4 =	sld [smem:$0x3FFC];
	_ =	sdelay $0x3  }
0x95: {  	_ =	strace s4  }
0x96: {  	s4 =	sld [smem:$0x3FFD];
	_ =	sdelay $0x3  }
0x97: {  	_ =	strace s4  }
0x98: {  	_ =	strace $0x8FFFFFFF  }
0x99: {  	s20 =	sld [smem:$0x3FDB];
	_ =	sdelay $0x1  }
0x9a: {  	s5 =	simm.s32 $_scs_section_size  }
0x9b: {  	s6 =	simm.s32 $_size__tile_overlayer_lowered;
	s7 =	simm.s32 $_tile_overlayer_lowered  }
0x9c: {  	s23 =	simm.s32 $0x1BFF;
	s22 =	sshll.u32 s7, $0x1;
	s4 =	sadd.s32 s5, s20  }
0x9d: {  	s8 =	simm.s32 $0x0;
	s21 =	sshll.u32 s6, $0x1;
	s6 =	sadd.s32 s22, s4  }
0x9e: {  	[timem:s8], [sflag:s23] =	dma.local [hbm:s6], s21  }
0x9f: {  	_ =	swait.ge [sflag:s23], s21  }
0xa0: {  	s5 =	ssub.s32 $0x0, s21;
	[sflag:s23] =	ssyncset.done $0x0  }
0xa1: {  	[sflag:s23] =	ssyncadd.s32 s5;
	_ =	sdelay $0x1  }
0xa2: {  	s24 =	simm.s32 $0x1B8B  }
0xa3: {  	_ =	swait.ge [sflag:s24], $0x1  }
0xa4: {  	[sflag:s24] =	ssyncset.done $0x0  }
0xa5: {  	s25 =	simm.s32 $0x1B8E;
	[sflag:s24] =	ssyncadd.s32 $0xFFFFFFFF  }
0xa6: {  	s26 =	simm.s32 $execute0_lowered;
	[smem:$0x3FD2] =	sst s25  }
0xa7: {  	s5 =	sshll.u32 s26, $0x1;
	_ =	strace $0x80000046;
	[dreg:$0x1] =	wrdreg $0xFFFFFFFF  }
0xa8: {  	s28 =	simm.s32 $_size_execute0_lowered;
	s4 =	sadd.s32 s4, s5;
	[dreg:$0x0] =	wrdreg $0x0  }
0xa9: {  	s5 =	sshll.u32 s28, $0x1;
	[dreg:$0x2] =	wrdreg s4  }
0xaa: {  	[dreg:$0x3] =	wrdreg s5  }
0xab: {  	[dreg:$0x4] =	wrdreg $0xC0  }
0xac: {  	_ =	task [dreg:s8], $0x5FFFF  }
0xad: {  	[dreg:$0x1] =	wrdreg $0xFFFFFFFF  }
0xae: {  	[dreg:$0x0] =	wrdreg $0x60  }
0xaf: {  	[dreg:$0x2] =	wrdreg s2  }
0xb0: {  	[dreg:$0x3] =	wrdreg s19  }
0xb1: {  	[dreg:$0x4] =	wrdreg $0x52000  }
0xb2: {  	[dreg:$0x5] =	wrdreg $0x9  }
0xb3: {  	_ =	task.clear_ibuf [dreg:s8], $0x6FFFF;
	_ =	strace $0x90000046  }
0xb4: {  	s29 =	simm.s32 $0x9;
	_ =	strace $0x80000048  }
0xb5: {  	_ =	swait.ge [sflag:s29], $0x1  }
0xb6: {  	[sflag:s29] =	ssyncadd.s32 $0xFFFFFFFF  }
0xb7: {  	_ =	strace $0x90000048  }
0xb8: {  	_ =	sfence  }
0xb9: {  	s30 =	sld [smem:$0x0];
	_ =	sdelay $0x2  }
0xba: {  	s31 =	sshll.u32 s1, $0xD;
	s1 =	sshrl.u32 s1, $0x2  }
0xbb: {  	s3 =	sand.u32 $0x4000, s31;
	s1 =	sadd.s32 s1, s30  }
0xbc: {  	s0 =	sor.u32 s3, s0;
	s1 =	sshll.u32 s1, $0x11  }
0xbd: {  	s0 =	sor.u32 s1, s0  }
0xbe: {  	s0 =	sadd.s32 $0x8F2B, s0  }
0xbf: {  	[sflag:s0] =	ssyncadd.remote.s32 $0x1  }
0xc0: {  	_ =	sfence.sel $0xFFFF  }
0xc1: {  	[dreg:$0x0] =	wrdreg $0xFFFFFFFF;
	(pc) =	sbr.abs _section_cstart, $3  }
0xc2: {  	[dreg:$0x1] =	wrdreg $0xFFFFFFFF  }
0xc3: {  	_ =	task.clear_ibuf [dreg:s8], $0x2FFFF;
	_ =	strace $0x9FFFFFFF  }
0xc4: {  	(tm) =	ssettm $0x7FFFFFFF  }
0xc5: {  	_ =	shalt  }
tec
execute0_lowered:
.L_overlay_start_1:
0x0: {  	(tag) =	ssettag $0x1  }
0x1: {  	s5 =	rddreg [dreg:$0x0]  }
0x2: {  	s7 =	rddreg [dreg:$0x1]  }
0x3: {  	s1 =	rddreg [dreg:$0x2]  }
0x4: {  	s2 =	srdreg.scid;
	s0 =	rddreg [dreg:$0x3]  }
0x5: {  	s3 =	simm.s32 $0x0;
	s6 =	sand.u32 $0x1, s2;
	s2 =	stileid.u32  }
0x6: {  	s14 =	simm.s32 $0x280;
	s17 =	simm.s32 $0x0;
	s12 =	smul.u32 $0x280, s2  }
0x7: {  	[smem:$0x7FF] =	sst s3;
	s4 =	sshll.u32 s6, $0x4;
	s30 =	smul.u32 $0x4E0, s6  }
0x8: {  	_ =	strace $0x80000047;
	s8 =	ssub.s32 $0x2, s6;
	s13 =	smul.u32 $0x4E, s2  }
0x9: {  	s6 =	smul.u32 $0x2800, s6;
	s15 =	sshll.u32 s2, $0x6;
	s4 =	sor.u32 s2, s4  }
0xa: {  	s10 =	sshrl.u32 s8, $0x1;
	s15 =	sor.u32 $0x1C02, s15;
	s9 =	smul.u32 $0x4E, s4  }
0xb: {  	s11 =	smin.u32 s4, $0x4;
	s8 =	ssub.s32 s8, s10;
	p0 =	slt.u32 s4, $0x4  }
0xc: {  	s4 =	simm.s32 $0x4F;
	s31 =	sadd.s32 s12, s6;
	s6 =	sadd.s32 s12, s1  }
0xd: {  	s12 =	simm.s32 $0x1;
	s10 =	sor.u32 s30, s11;
	s4 =	simm.s32 @!p0 $0x4E  }
0xe: {  	s8 =	smax.u32 s8, $0x1;
	s16 =	sshrl.u32 s6, $0x3;
	s9 =	sadd.s32 s11, s9  }
0xf: {  	s10 =	sadd.s32 s13, s10;
	s11 =	simm.s32 $0x2;
	s9 =	smin.u32 s9, $0x975  }
0x10: {  	s13 =	simm.s32 $0x80;
	s10 =	smax.u32 s10, $0x975;
	s9 =	sshll.u32 s9, $0x5  }
0x11: {  	s10 =	sshll.u32 s10, $0x8;
	s5 =	sadd.s32 s5, s9;
	s9 =	sshrl.u32 s31, $0x3  }
0x12: {  	v0 =	vimm.f32 $0.0e+00;
	v1 =	vimm.f32 $1.000000000e+00;
	s7 =	sadd.s32 s7, s9;
	s9 =	sadd.s32 $0xFFF68E80, s10;
	s10 =	simm.s32 $0x300  }
.LBB2_1:
0x13: {  	[tilespmem:$0x0] =	vst v0  }
0x14: {  	[tilespmem:$0x10] =	vst v0  }
0x15: {  	[tilespmem:$0x20] =	vst v0  }
0x16: {  	[tilespmem:$0x30] =	vst v0  }
0x17: {  	[tilespmem:$0x40] =	vst v0  }
0x18: {  	[tilespmem:$0x50] =	vst v0  }
0x19: {  	[tilespmem:$0x60] =	vst v0  }
0x1a: {  	[tilespmem:$0x70] =	vst v0  }
0x1b: {  	[tilespmem:$0x80] =	vst v0  }
0x1c: {  	[tilespmem:$0x90] =	vst v0  }
0x1d: {  	[tilespmem:$0xA0] =	vst v0  }
0x1e: {  	[tilespmem:$0xB0] =	vst v0  }
0x1f: {  	[tilespmem:$0xC0] =	vst v0  }
0x20: {  	[tilespmem:$0xD0] =	vst v0  }
0x21: {  	[tilespmem:$0xE0] =	vst v0  }
0x22: {  	[tilespmem:$0xF0] =	vst v0  }
0x23: {  	[tilespmem:$0x100] =	vst v0  }
0x24: {  	[tilespmem:$0x110] =	vst v0  }
0x25: {  	[tilespmem:$0x120] =	vst v0  }
0x26: {  	[tilespmem:$0x130] =	vst v0  }
0x27: {  	[tilespmem:$0x140] =	vst v0  }
0x28: {  	[tilespmem:$0x150] =	vst v0  }
0x29: {  	[tilespmem:$0x160] =	vst v0  }
0x2a: {  	[tilespmem:$0x170] =	vst v0  }
0x2b: {  	[tilespmem:$0x180] =	vst v0  }
0x2c: {  	[tilespmem:$0x190] =	vst v0  }
0x2d: {  	[tilespmem:$0x1A0] =	vst v0  }
0x2e: {  	[tilespmem:$0x1B0] =	vst v0  }
0x2f: {  	[tilespmem:$0x1C0] =	vst v0  }
0x30: {  	[tilespmem:$0x1D0] =	vst v0  }
0x31: {  	[tilespmem:$0x1E0] =	vst v0  }
0x32: {  	[tilespmem:$0x1F0] =	vst v0  }
0x33: {  	[tilespmem:$0x200] =	vst v0  }
0x34: {  	[tilespmem:$0x210] =	vst v0  }
0x35: {  	[tilespmem:$0x220] =	vst v0  }
0x36: {  	[tilespmem:$0x230] =	vst v0  }
0x37: {  	[tilespmem:$0x240] =	vst v0  }
0x38: {  	[tilespmem:$0x250] =	vst v0  }
0x39: {  	[tilespmem:$0x260] =	vst v0  }
0x3a: {  	[tilespmem:$0x270] =	vst v0  }
0x3b: {  	[tilespmem:$0x280] =	vst v1  }
0x3c: {  	[tilespmem:$0x290] =	vst v1  }
0x3d: {  	[tilespmem:$0x2A0] =	vst v1  }
0x3e: {  	[tilespmem:$0x2B0] =	vst v1  }
0x3f: {  	[tilespmem:$0x2C0] =	vst v1  }
0x40: {  	[tilespmem:$0x2D0] =	vst v1  }
0x41: {  	[tilespmem:$0x2E0] =	vst v1  }
0x42: {  	[tilespmem:$0x2F0] =	vst v1  }
0x43: {  	[tilespmem:s10], [sflag:$0x1] =	stream.linear.gather [hbm4b:s5+s3], $0x4F00, $0x38;
	[tilespmem:$0x5480] =	vst v63  }
0x44: {  	_ = 	snop  }
0x45: {  	[spmem:s6] =	stream.linear.scatter [tilespmem:s3], [sflag:$0x2], $0x280, $0x38;
	[tilespmem:$0x5480] =	vst v63  }
0x46: {  	_ =	swait.ge [sflag:s11], $0x280  }
0x47: {  	[sflag:s11] =	ssyncset.done $0x0  }
0x48: {  	[sflag:s11] =	ssyncadd.s32 $0xFFFFFD80  }
0x49: {  	_ =	swait.ge [sflag:s12], $0x4F00  }
0x4a: {  	p1 =	sne.s32 s4, $0x1;
	[sflag:s12] =	ssyncset.done $0x0  }
.Ltmp0:
0x4b: {  	p0 =	por $0x1, $0x1;
	[sflag:s12] =	ssyncadd.s32 $0xFFFFB100;
	(pc) =	sbr.rel @!p1 .LBB2_3-.Ltmp0, $4  }
0x4c: {  	s20 =	simm.s32 @!p0 $0x1;
	[bflag:$0x0] =	sbarrier.arrive $0xFFFF  }
0x4d: {  	[spmem:s1] =	stream.indirect.scatter.add.f32 [tilespmem:s14], [sflag:$0x1], $0x1, s9, s13, $0xb8;
	[tilespmem:$0x5480] =	vst v63  }
0x4e: {  	_ =	swait.ge @!p0 [sflag:s20], $0x80  }
0x4f: {  	s18 =	simm.s32 $0x1;
	s19 =	smov.u32 s9;
	[sflag:s20] =	ssyncset.done @!p0 $0x0  }
.LBB2_2:
0x50: {  	[sflag:s20] =	ssyncadd.s32 @!p0 $0xFFFFFF80  }
0x51: {  	s19 =	sadd.s32 $0x100, s19;
	s20 =	smov.u32 s18;
	s18 =	sadd.s32 $0x1, s18  }
0x52: {  	p1 =	sne.s32 s4, s18  }
0x53: {  	[spmem:s1] =	stream.indirect.scatter.add.f32 [tilespmem:s14], [sflag:$0x1], $0x1, s19, s13, $0xb8;
	[tilespmem:$0x5480] =	vst v63  }
.Ltmp1:
0x54: {  	_ = 	snop;
	(pc) =	sbr.rel @p1 .LBB2_2-.Ltmp1, $4  }
0x55: {  	p0 =	slt.u32 s20, $0xA  }
0x56: {  	s20 =	simm.s32 @!p0 $0x1  }
0x57: {  	_ =	swait.ge @!p0 [sflag:s20], $0x80  }
0x58: {  	[sflag:s20] =	ssyncset.done @!p0 $0x0  }
.LBB2_3:
0x59: {  	[sflag:s20] =	ssyncadd.s32 @!p0 $0xFFFFFF80  }
0x5a: {  	_ =	swait.ge [sflag:s12], $0x80  }
0x5b: {  	[sflag:s12] =	ssyncset.done $0x0  }
0x5c: {  	[sflag:s12] =	ssyncadd.s32 $0xFFFFFF80  }
0x5d: {  	_ =	swait.ge [sflag:s12], $0x80  }
0x5e: {  	[sflag:s12] =	ssyncset.done $0x0  }
0x5f: {  	[sflag:s12] =	ssyncadd.s32 $0xFFFFFF80  }
0x60: {  	_ =	swait.ge [sflag:s12], $0x80  }
0x61: {  	[sflag:s12] =	ssyncset.done $0x0  }
0x62: {  	[sflag:s12] =	ssyncadd.s32 $0xFFFFFF80  }
0x63: {  	_ =	swait.ge [sflag:s12], $0x80  }
0x64: {  	[sflag:s12] =	ssyncset.done $0x0  }
0x65: {  	[sflag:s12] =	ssyncadd.s32 $0xFFFFFF80  }
0x66: {  	_ =	swait.ge [sflag:s12], $0x80  }
0x67: {  	[sflag:s12] =	ssyncset.done $0x0  }
0x68: {  	[sflag:s12] =	ssyncadd.s32 $0xFFFFFF80  }
0x69: {  	_ =	swait.ge [sflag:s12], $0x80  }
0x6a: {  	[sflag:s12] =	ssyncset.done $0x0  }
0x6b: {  	[sflag:s12] =	ssyncadd.s32 $0xFFFFFF80  }
0x6c: {  	_ =	swait.ge [sflag:s12], $0x80  }
0x6d: {  	[sflag:s12] =	ssyncset.done $0x0  }
0x6e: {  	[sflag:s12] =	ssyncadd.s32 $0xFFFFFF80  }
0x6f: {  	_ =	swait.ge [sflag:s12], $0x80  }
0x70: {  	[sflag:s12] =	ssyncset.done $0x0  }
0x71: {  	[sflag:s12] =	ssyncadd.s32 $0xFFFFFF80  }
0x72: {  	_ =	swait.ge [sflag:s12], $0x80  }
0x73: {  	[sflag:s12] =	ssyncset.done $0x0  }
0x74: {  	[sflag:s12] =	ssyncadd.s32 $0xFFFFFF80  }
0x75: {  	_ =	swait.ge [sflag:s12], $0x80  }
0x76: {  	s17 =	sadd.s32 $0x1, s17;
	[sflag:s12] =	ssyncset.done $0x0  }
0x77: {  	p0 =	sne.s32 s17, s8;
	[sflag:s12] =	ssyncadd.s32 $0xFFFFFF80  }
.Ltmp2:
0x78: {  	[bflag:$0x0] =	sbarrier.arrive $0xFFFF;
	(pc) =	sbr.rel @p0 .LBB2_1-.Ltmp2, $4  }
0x79: {  	[hbm:s7], [sflag:s15] =	dma.local [spmem:s16], $0x50  }
0x7a: {  	_ =	swait.ge [sflag:s11], $0x50  }
0x7b: {  	[sflag:s11] =	ssyncset.done $0x0  }
0x7c: {  	[sflag:s11] =	ssyncadd.s32 $0xFFFFFFB0  }
0x7d: {  	_ =	sfence.sel $0x180000  }
0x7e: {  	[bflag:$0x0] =	sbarrier.arrive $0xFFFF  }
0x7f: {  	p0 =	sne.s32 s2, $0x0;
	_ =	strace $0x90000047  }
0x80: {  	s0 =	sadd.s32 @!p0 $0x100000, s0;
	[bflag:$0x2] =	sbarrier.arrive $0xFFFF  }
0x81: {  	[sflag:s0] =	ssyncadd.tile.s32 @!p0 $0x1;
	_ =	shalt  }
.Lfunc_end2:
_tile_overlayer_lowered:
.L_overlay_start_2:
0x82: {  	(tag) =	ssettag $0x2  }
0x83: {  	s0 =	rddreg [dreg:$0x0];
	s2 =	stileid.u32  }
0x84: {  	s1 =	rddreg [dreg:$0x1];
	p0 =	sne.s32 s2, $0x0  }
0x85: {  	s3 =	rddreg [dreg:$0x2];
	[bflag:$0x3] =	sbarrier.arrive $0xFFFF;
	s2 =	simm.s32 @!p0 $0x1C02  }
0x86: {  	[timem:s3], [sflag:s2] =	dma.local @!p0 [hbm:s0], s1  }
0x87: {  	s0 =	simm.s32 @!p0 $0x2  }
0x88: {  	_ =	swait.ge @!p0 [sflag:s0], s1  }
0x89: {  	s1 =	ssub.s32 @!p0 $0x0, s1;
	[sflag:s0] =	ssyncset.done @!p0 $0x0  }
0x8a: {  	[sflag:s0] =	ssyncadd.s32 @!p0 s1  }
0x8b: {  	[bflag:$0x3] =	sbarrier.arrive $0xFFFF  }
0x8c: {  	_ =	shalt  }

// kernel: kernel.9.cloned.1.call-start
scs
__scs_entry_jumppad:
0x0: {  	(pc) =	sbr.rel $0x88, $3  }
0x1: {  	(tag) =	ssettag $0x0;
	lr =	simm.s32 $0x1  }
0x2: {  	[smem:$0x3F9C] =	sst lr;
	_ =	strace $0xD0000000  }
0x3: {  	_ = 	snop  }
0x4: {  	_ = 	snop  }
0x5: {  	_ = 	snop  }
0x6: {  	_ = 	snop  }
0x7: {  	_ = 	snop  }
__scs_overlays_trampoline_lowered:
0x8: {  	[smem:$0x3FAB] =	sst s0  }
0x9: {  	[smem:$0x3FAC] =	sst s1  }
0xa: {  	[smem:$0x3FAD] =	sst s2  }
0xb: {  	[smem:$0x3FAE] =	sst s3  }
0xc: {  	[smem:$0x3FAF] =	sst s4  }
0xd: {  	[smem:$0x3FB0] =	sst s5  }
0xe: {  	[smem:$0x3FB1] =	sst s6  }
0xf: {  	[smem:$0x3FB2] =	sst s7  }
0x10: {  	[smem:$0x3FB3] =	sst s8  }
0x11: {  	[smem:$0x3FB4] =	sst s9;
	s0 =	simm.s32 @!p0 $0x0  }
0x12: {  	s1 =	sld [smem:$0x3F9A];
	s0 =	simm.s32 @p0 $0x1  }
0x13: {  	[smem:$0x3FB5] =	sst s0;
	s0 =	simm.s32 @!p1 $0x0  }
0x14: {  	s2 =	sld [smem:$0x3F99];
	s0 =	simm.s32 @p1 $0x1  }
0x15: {  	[smem:$0x3FB6] =	sst s0;
	s0 =	simm.s32 @!p2 $0x0  }
0x16: {  	s3 =	sld [smem:$0x3FDB];
	s0 =	simm.s32 @p2 $0x1  }
0x17: {  	s4 =	simm.s32 $0x1BF5;
	[smem:$0x3FB8] =	sst s0  }
0x18: {  	s0 =	sld [smem:$0x3F9B];
	_ =	swait.ge [sflag:s4], $0x0  }
0x19: {  	s7 =	sld [smem:$0x3F9C]  }
0x1a: {  	s8 =	sadd.s32 $0xFFFFE003, lr  }
0x1b: {  	s9 =	sadd.s32 $0xFFFFFEF7, lr;
	s5 =	simm.s32 $0xFFFFFFFF;
	p2 =	slt.u32 s8, $0xFFFFF086  }
0x1c: {  	p1 =	slt.u32 s9, $0xF7A;
	s5 =	simm.s32 @!p2 $0x0  }
0x1d: {  	s5 =	simm.s32 @p1 $0x1;
	p0 =	seq.s32 s7, s2  }
0x1e: {  	s7 =	smul.u32 @!p0 $0xF7A, s2;
	p2 =	seq.s32 @!p0 s5, $0x0  }
0x1f: {  	s9 =	smul.u32 $0xF7A, s1;
	s8 =	simm.s32 @!p0 $0x1BF5;
	p2 =	por !p2, p0  }
0x20: {  	[sflag:s8] =	ssyncset.s32 @!p0 $0xFFFFF086;
	s6 =	sadd.s32 @!p0 s3, s7;
	s7 =	simm.s32 @!p0 $0x108  }
0x21: {  	s3 =	sadd.s32 s3, s9;
	s6 =	sadd.s32 @!p0 $0x88, s6;
	s7 =	simm.s32 @p2 $0x1082  }
0x22: {  	[simem:s7], [sflag:s8] =	dma.local @!p0 [hbm:s6], $0xF7A  }
0x23: {  	s9 =	sor.u32 $0xD0000000, s2;
	s6 =	simm.s32 $0x108;
	_ =	swait.ge @!p0 [sflag:s8], $0x0  }
0x24: {  	s3 =	sadd.s32 $0x88, s3;
	s6 =	simm.s32 @!p1 $0x1082;
	[sflag:s4] =	ssyncset.s32 $0xFFFFF086  }
0x25: {  	[simem:s6], [sflag:s4] =	dma.local [hbm:s3], $0xF7A  }
0x26: {  	[smem:$0x3F9C] =	sst s1;
	(tag) =	ssettag s2;
	_ =	strace s9  }
0x27: {  	s1 =	sld [smem:$0x3FAC]  }
0x28: {  	s2 =	sld [smem:$0x3FAD]  }
0x29: {  	s4 =	sld [smem:$0x3FAF]  }
0x2a: {  	p0 =	seq.s32 s5, $0x0;
	s5 =	sld [smem:$0x3FB0]  }
0x2b: {  	s6 =	sld [smem:$0x3FB1]  }
0x2c: {  	s7 =	sld [smem:$0x3FB2]  }
0x2d: {  	s3 =	simm.s32 $0x108;
	s8 =	sld [smem:$0x3FB3]  }
0x2e: {  	s3 =	simm.s32 @!p0 $0x1082;
	s9 =	sld [smem:$0x3FB4]  }
0x2f: {  	lr =	sadd.s32 s0, s3;
	s0 =	sld [smem:$0x3FAB]  }
0x30: {  	s3 =	sld [smem:$0x3FAE]  }
0x31: {  	[smem:$0x3FB7] =	sst s10  }
0x32: {  	s10 =	sld [smem:$0x3FB5];
	_ =	sdelay $0x3  }
0x33: {  	p0 =	seq.s32 s10, $0x1;
	s10 =	sld [smem:$0x3FB7];
	_ =	sdelay $0x3  }
0x34: {  	[smem:$0x3FB7] =	sst s10  }
0x35: {  	s10 =	sld [smem:$0x3FB6];
	_ =	sdelay $0x3  }
0x36: {  	p1 =	seq.s32 s10, $0x1;
	s10 =	sld [smem:$0x3FB7];
	_ =	sdelay $0x3  }
0x37: {  	[smem:$0x3FB7] =	sst s10  }
0x38: {  	s10 =	sld [smem:$0x3FB8]  }
0x39: {  	_ = 	snop;
	(pc) =	sbr.ind lr, $3  }
0x3a: {  	_ = 	snop  }
0x3b: {  	_ = 	snop  }
0x3c: {  	p2 =	seq.s32 s10, $0x1;
	s10 =	sld [smem:$0x3FB7]  }
0x3d: {  	_ =	shalt  }
0x3e: {  	_ =	shalt  }
0x3f: {  	_ =	shalt  }
0x40: {  	_ =	shalt  }
0x41: {  	_ =	shalt  }
0x42: {  	_ =	shalt  }
0x43: {  	_ =	shalt  }
0x44: {  	_ =	shalt  }
0x45: {  	_ =	shalt  }
0x46: {  	_ =	shalt  }
0x47: {  	_ =	shalt  }
0x48: {  	_ =	shalt  }
0x49: {  	_ =	shalt  }
0x4a: {  	_ =	shalt  }
0x4b: {  	_ =	shalt  }
0x4c: {  	_ =	shalt  }
0x4d: {  	_ =	shalt  }
0x4e: {  	_ =	shalt  }
0x4f: {  	_ =	shalt  }
0x50: {  	_ =	shalt  }
0x51: {  	_ =	shalt  }
0x52: {  	_ =	shalt  }
0x53: {  	_ =	shalt  }
0x54: {  	_ =	shalt  }
0x55: {  	_ =	shalt  }
0x56: {  	_ =	shalt  }
0x57: {  	_ =	shalt  }
0x58: {  	_ =	shalt  }
0x59: {  	_ =	shalt  }
0x5a: {  	_ =	shalt  }
0x5b: {  	_ =	shalt  }
0x5c: {  	_ =	shalt  }
0x5d: {  	_ =	shalt  }
0x5e: {  	_ =	shalt  }
0x5f: {  	_ =	shalt  }
0x60: {  	_ =	shalt  }
0x61: {  	_ =	shalt  }
0x62: {  	_ =	shalt  }
0x63: {  	_ =	shalt  }
0x64: {  	_ =	shalt  }
0x65: {  	_ =	shalt  }
0x66: {  	_ =	shalt  }
0x67: {  	_ =	shalt  }
0x68: {  	_ =	shalt  }
0x69: {  	_ =	shalt  }
0x6a: {  	_ =	shalt  }
0x6b: {  	_ =	shalt  }
0x6c: {  	_ =	shalt  }
0x6d: {  	_ =	shalt  }
0x6e: {  	_ =	shalt  }
0x6f: {  	_ =	shalt  }
0x70: {  	_ =	shalt  }
0x71: {  	_ =	shalt  }
0x72: {  	_ =	shalt  }
0x73: {  	_ =	shalt  }
0x74: {  	_ =	shalt  }
0x75: {  	_ =	shalt  }
0x76: {  	_ =	shalt  }
0x77: {  	_ =	shalt  }
0x78: {  	_ =	shalt  }
0x79: {  	_ =	shalt  }
0x7a: {  	_ =	shalt  }
0x7b: {  	_ =	shalt  }
0x7c: {  	_ =	shalt  }
0x7d: {  	_ =	shalt  }
0x7e: {  	_ =	shalt  }
0x7f: {  	_ =	shalt  }
0x80: {  	_ =	shalt  }
0x81: {  	_ =	shalt  }
0x82: {  	_ =	shalt  }
0x83: {  	_ =	shalt  }
0x84: {  	_ =	shalt  }
0x85: {  	_ =	shalt  }
0x86: {  	_ =	shalt  }
0x87: {  	_ =	shalt  }
.Lfunc_end0:
.L_simem_size_0:
called_computation.1_lowered:
.L_overlay_start_0:
0x88: {  	s2 =	sld [smem:$0x3FD9]  }
0x89: {  	s3 =	sld [smem:$0x3FFE];
	_ =	sdelay $0x1  }
0x8a: {  	s1 =	srdreg.scid  }
0x8b: {  	s0 =	sand.u32 $0x1, s1  }
0x8c: {  	s17 =	sshll.u32 s0, $0xA;
	s2 =	sadd.s32 s3, s2  }
0x8d: {  	s2 =	sadd.s32 s2, s17  }
0x8e: {  	[smem:$0x3FC3] =	sst s2  }
0x8f: {  	_ = 	snop  }
0x90: {  	s2 =	sld [smem:$0x3FC8];
	(tm) =	ssettm $0x1  }
0x91: {  	s18 =	sld [smem:$0x3FFB];
	_ =	sdelay $0x3  }
0x92: {  	_ =	strace s18  }
0x93: {  	s3 =	sld [smem:$0x3FFC];
	_ =	sdelay $0x3  }
0x94: {  	_ =	strace s3  }
0x95: {  	s3 =	sld [smem:$0x3FFD];
	_ =	sdelay $0x3  }
0x96: {  	_ =	strace s3  }
0x97: {  	_ =	strace $0x8FFFFFFF  }
0x98: {  	s19 =	sld [smem:$0x3FDB];
	_ =	sdelay $0x1  }
0x99: {  	s4 =	simm.s32 $_scs_section_size  }
0x9a: {  	s5 =	simm.s32 $_size__tile_overlayer_lowered;
	s6 =	simm.s32 $_tile_overlayer_lowered  }
0x9b: {  	s22 =	simm.s32 $0x1BFF;
	s21 =	sshll.u32 s6, $0x1;
	s3 =	sadd.s32 s4, s19  }
0x9c: {  	s7 =	simm.s32 $0x0;
	s20 =	sshll.u32 s5, $0x1;
	s5 =	sadd.s32 s21, s3  }
0x9d: {  	[timem:s7], [sflag:s22] =	dma.local [hbm:s5], s20  }
0x9e: {  	_ =	swait.ge [sflag:s22], s20  }
0x9f: {  	s4 =	ssub.s32 $0x0, s20;
	[sflag:s22] =	ssyncset.done $0x0  }
0xa0: {  	[sflag:s22] =	ssyncadd.s32 s4;
	_ =	sdelay $0x1  }
0xa1: {  	s23 =	simm.s32 $0x1B8B  }
0xa2: {  	_ =	swait.ge [sflag:s23], $0x1  }
0xa3: {  	[sflag:s23] =	ssyncset.done $0x0  }
0xa4: {  	s25 =	simm.s32 $0x1B8E;
	s24 =	sld [smem:$0x3FFE];
	[sflag:s23] =	ssyncadd.s32 $0xFFFFFFFF  }
0xa5: {  	s26 =	simm.s32 $execute0_lowered;
	[smem:$0x3FD2] =	sst s25  }
0xa6: {  	s5 =	sshll.u32 s26, $0x1;
	_ =	strace $0x80000049;
	[dreg:$0x1] =	wrdreg $0xFFFFFFFF  }
0xa7: {  	s28 =	simm.s32 $_size_execute0_lowered;
	s3 =	sadd.s32 s3, s5;
	[dreg:$0x0] =	wrdreg $0x0  }
0xa8: {  	s5 =	sshll.u32 s28, $0x1;
	[dreg:$0x2] =	wrdreg s3  }
0xa9: {  	[dreg:$0x3] =	wrdreg s5  }
0xaa: {  	[dreg:$0x4] =	wrdreg $0xC0  }
0xab: {  	_ =	task [dreg:s7], $0x5FFFF  }
0xac: {  	[dreg:$0x1] =	wrdreg $0xFFFFFFFF  }
0xad: {  	[dreg:$0x0] =	wrdreg $0x60  }
0xae: {  	[dreg:$0x2] =	wrdreg s24  }
0xaf: {  	[dreg:$0x3] =	wrdreg s2  }
0xb0: {  	[dreg:$0x4] =	wrdreg $0x84000  }
0xb1: {  	[dreg:$0x5] =	wrdreg $0x9  }
0xb2: {  	_ =	task.clear_ibuf [dreg:s7], $0x6FFFF;
	_ =	strace $0x90000049  }
0xb3: {  	s29 =	simm.s32 $0x9;
	_ =	strace $0x8000004B  }
0xb4: {  	_ =	swait.ge [sflag:s29], $0x1  }
0xb5: {  	[sflag:s29] =	ssyncadd.s32 $0xFFFFFFFF  }
0xb6: {  	_ =	strace $0x9000004B  }
0xb7: {  	_ =	sfence  }
0xb8: {  	s30 =	sld [smem:$0x0];
	_ =	sdelay $0x2  }
0xb9: {  	s31 =	sshll.u32 s1, $0xD;
	s1 =	sshrl.u32 s1, $0x2  }
0xba: {  	s3 =	sand.u32 $0x4000, s31;
	s1 =	sadd.s32 s1, s30  }
0xbb: {  	s0 =	sor.u32 s3, s0;
	s1 =	sshll.u32 s1, $0x11  }
0xbc: {  	s0 =	sor.u32 s1, s0  }
0xbd: {  	s0 =	sadd.s32 $0x8F2B, s0  }
0xbe: {  	[sflag:s0] =	ssyncadd.remote.s32 $0x1  }
0xbf: {  	_ =	sfence.sel $0xFFFF  }
0xc0: {  	[dreg:$0x0] =	wrdreg $0xFFFFFFFF;
	(pc) =	sbr.abs _section_cstart, $3  }
0xc1: {  	[dreg:$0x1] =	wrdreg $0xFFFFFFFF  }
0xc2: {  	_ =	task.clear_ibuf [dreg:s7], $0x2FFFF;
	_ =	strace $0x9FFFFFFF  }
0xc3: {  	(tm) =	ssettm $0x7FFFFFFF  }
tec
execute0_lowered:
.L_overlay_start_1:
0x0: {  	(tag) =	ssettag $0x1  }
0x1: {  	s0 =	rddreg [dreg:$0x0]  }
0x2: {  	s2 =	rddreg [dreg:$0x1]  }
0x3: {  	s3 =	rddreg [dreg:$0x2]  }
0x4: {  	s12 =	stileid.u32;
	s1 =	srdreg.scid  }
0x5: {  	s4 =	simm.s32 $0x0;
	s25 =	simm.s32 $0x280;
	s26 =	simm.s32 $0x380  }
0x6: {  	s28 =	simm.s32 $0x2;
	s29 =	simm.s32 $0x4400;
	s30 =	simm.s32 $0x5  }
0x7: {  	s31 =	simm.s32 $0x3;
	s5 =	smul.u32 $0x271, s12;
	s1 =	sand.u32 $0x1, s1  }
0x8: {  	[smem:$0x7FF] =	sst s4;
	s10 =	smul.u32 $0x4E200, s12;
	s23 =	sshll.u32 s12, $0x5  }
0x9: {  	s6 =	smul.u32 $0x2800, s1;
	_ =	strace $0x8000004A;
	s7 =	sshll.u32 s1, $0x4  }
0xa: {  	s16 =	ssub.s32 $0x2, s1;
	s1 =	sshll.u32 s1, $0x9;
	[dreg:$0x4] =	wrdreg s25  }
0xb: {  	[dreg:$0x5] =	wrdreg s26;
	s26 =	simm.s32 $0x80;
	s5 =	sand.u32 $0x3FF8, s5  }
0xc: {  	s11 =	sshrl.u32 s16, $0x1;
	s10 =	sshrl.u32 s10, $0x2;
	s1 =	sadd.s32 s1, s2  }
0xd: {  	s8 =	smin.u32 s5, $0x2498;
	s5 =	sadd.s32 $0x1400, s0;
	s11 =	ssub.s32 s16, s11  }
0xe: {  	s1 =	sadd.s32 s23, s1;
	s23 =	simm.s32 $0x7;
	s6 =	sadd.s32 s6, s8  }
0xf: {  	s8 =	sshll.u32 s8, $0x7;
	s9 =	sshll.u32 s6, $0x4;
	s6 =	sor.u32 s12, s7  }
0x10: {  	s8 =	sadd.s32 s8, s3;
	s12 =	sadd.s32 $0x1400, s1;
	s1 =	simm.s32 $0x6  }
0x11: {  	s0 =	sadd.s32 s9, s0;
	s7 =	sshll.u32 s6, $0x5;
	s9 =	sadd.s32 s10, s3  }
0x12: {  	p0 =	sgt.u32 s6, $0x3;
	s25 =	sshrl.u32 s8, $0x3;
	s8 =	simm.s32 $0x4  }
0x13: {  	s10 =	simm.s32 $0x0;
	s7 =	sadd.s32 s2, s7;
	s20 =	sadd.s32 $0x4000, s9  }
0x14: {  	s21 =	sadd.s32 $0x8000, s9;
	s22 =	sadd.s32 $0xC000, s9;
	[dreg:$0x9] =	wrdreg s20  }
0x15: {  	s24 =	sadd.s32 $0x10000, s9;
	s16 =	sadd.s32 $0x29400, s0;
	[dreg:$0xa] =	wrdreg s21  }
0x16: {  	s0 =	simm.s32 $0x180;
	s17 =	sadd.s32 $0x400, s7;
	[dreg:$0xb] =	wrdreg s22  }
0x17: {  	s18 =	sadd.s32 $0x800, s7;
	s19 =	sadd.s32 $0xC00, s7;
	[dreg:$0xc] =	wrdreg s24  }
0x18: {  	s20 =	simm.s32 $0x200;
	s21 =	simm.s32 $0x300;
	[dreg:$0x6] =	wrdreg s17  }
0x19: {  	s22 =	simm.s32 $0x400;
	s24 =	simm.s32 $0x1;
	[dreg:$0x7] =	wrdreg s18  }
0x1a: {  	v0 =	vimm.f32 $0.0e+00;
	[dreg:$0x8] =	wrdreg s19;
	s17 =	smax.u32 s11, $0x1;
	s19 =	simm.s32 $0x100  }
.LBB2_1:
0x1b: {  	[tilespmem:s4], [sflag:$0x1] =	stream.linear.gather [hbm4b:s7+s4], $0x100, $0x38;
	[tilespmem:$0x1BC80] =	vst v63  }
0x1c: {  	s11 =	rddreg [dreg:$0x6]  }
0x1d: {  	[tilespmem:s19], [sflag:$0x2] =	stream.linear.gather [hbm4b:s11+s4], $0x100, $0x38;
	[tilespmem:$0x1BC80] =	vst v63  }
0x1e: {  	s15 =	rddreg [dreg:$0x7]  }
0x1f: {  	[tilespmem:s20], [sflag:$0x3] =	stream.linear.gather [hbm4b:s15+s4], $0x100, $0x38;
	[tilespmem:$0x1BC80] =	vst v63  }
0x20: {  	s18 =	rddreg [dreg:$0x8]  }
0x21: {  	[tilespmem:s21], [sflag:$0x4] =	stream.linear.gather [hbm4b:s18+s4], $0x100, $0x38;
	[tilespmem:$0x1BC80] =	vst v63  }
0x22: {  	s11 =	simm.s32 $0x0;
	s18 =	simm.s32 $0x200  }
.LBB2_2:
0x23: {  	p1 =	sne.s32 s18, $0xFE00;
	[tilespmem:s11+$0x470] =	vst v0  }
0x24: {  	[tilespmem:s11+$0x400] =	vst v0  }
0x25: {  	[tilespmem:s11+$0x410] =	vst v0  }
.Ltmp0:
0x26: {  	[tilespmem:s11+$0x420] =	vst v0;
	(pc) =	sbr.rel @p1 .LBB2_2-.Ltmp0, $4  }
0x27: {  	[tilespmem:s11+$0x430] =	vst v0  }
0x28: {  	[tilespmem:s11+$0x440] =	vst v0  }
0x29: {  	[tilespmem:s11+$0x450] =	vst v0  }
0x2a: {  	[tilespmem:s11+$0x460] =	vst v0;
	s11 =	sshra.s32 s18, $0x2;
	s18 =	sadd.s32 $0x200, s18  }
0x2b: {  	[tilespmem:s11+$0x470] =	vst v0  }
0x2c: {  	[tilespmem:s11+$0x400] =	vst v0  }
0x2d: {  	[tilespmem:s11+$0x410] =	vst v0  }
0x2e: {  	[tilespmem:s11+$0x420] =	vst v0  }
0x2f: {  	[tilespmem:s11+$0x430] =	vst v0  }
0x30: {  	[tilespmem:s11+$0x440] =	vst v0  }
0x31: {  	[tilespmem:s11+$0x450] =	vst v0  }
0x32: {  	[tilespmem:s11+$0x460] =	vst v0  }
0x33: {  	[spmem:s9] =	stream.linear.scatter [tilespmem:s22], [sflag:$0x7], $0x4000, $0x38;
	[tilespmem:$0x1BC80] =	vst v63  }
0x34: {  	_ =	swait.ge [sflag:s23], $0x4000  }
0x35: {  	[sflag:s23] =	ssyncset.done $0x0  }
0x36: {  	s18 =	rddreg [dreg:$0x9];
	[sflag:s23] =	ssyncadd.s32 $0xFFFFC000  }
0x37: {  	[spmem:s18] =	stream.linear.scatter [tilespmem:s22], [sflag:$0x7], $0x4000, $0x38;
	[tilespmem:$0x1BC80] =	vst v63  }
0x38: {  	_ =	swait.ge [sflag:s23], $0x4000  }
0x39: {  	[sflag:s23] =	ssyncset.done $0x0  }
0x3a: {  	s13 =	rddreg [dreg:$0xa];
	[sflag:s23] =	ssyncadd.s32 $0xFFFFC000  }
0x3b: {  	[spmem:s13] =	stream.linear.scatter [tilespmem:s22], [sflag:$0x7], $0x4000, $0x38;
	[tilespmem:$0x1BC80] =	vst v63  }
0x3c: {  	_ =	swait.ge [sflag:s23], $0x4000  }
0x3d: {  	[sflag:s23] =	ssyncset.done $0x0  }
0x3e: {  	s14 =	rddreg [dreg:$0xb];
	[sflag:s23] =	ssyncadd.s32 $0xFFFFC000  }
0x3f: {  	[spmem:s14] =	stream.linear.scatter [tilespmem:s22], [sflag:$0x7], $0x4000, $0x38;
	[tilespmem:$0x1BC80] =	vst v63  }
0x40: {  	_ =	swait.ge [sflag:s23], $0x4000  }
0x41: {  	[sflag:s23] =	ssyncset.done $0x0  }
0x42: {  	s15 =	rddreg [dreg:$0xc];
	[sflag:s23] =	ssyncadd.s32 $0xFFFFC000  }
0x43: {  	[spmem:s15] =	stream.linear.scatter [tilespmem:s22], [sflag:$0x7], $0x3880, $0x38;
	[tilespmem:$0x1BC80] =	vst v63  }
0x44: {  	_ =	swait.ge [sflag:s23], $0x3880  }
0x45: {  	[sflag:s23] =	ssyncset.done $0x0  }
0x46: {  	[sflag:s23] =	ssyncadd.s32 $0xFFFFC780  }
0x47: {  	[bflag:$0x0] =	sbarrier.arrive $0xFFFF  }
0x48: {  	_ =	swait.ge [sflag:s24], $0x100  }
0x49: {  	[sflag:s24] =	ssyncset.done $0x0  }
0x4a: {  	s18 =	simm.s32 $0x0;
	[sflag:s24] =	ssyncadd.s32 $0xFFFFFF00  }
0x4b: {  	[tilespmem:s22], [sflag:$0x5] =	stream.indirect.gather [hbm4b:s5+s26], $0x80, s18, s26, $0xb8;
	[tilespmem:$0x1BC80] =	vst v63  }
0x4c: {  	_ =	swait.ge [sflag:s28], $0x100  }
0x4d: {  	[sflag:s28] =	ssyncset.done $0x0  }
0x4e: {  	[sflag:s28] =	ssyncadd.s32 $0xFFFFFF00  }
0x4f: {  	[tilespmem:s29], [sflag:$0x6] =	stream.indirect.gather [hbm4b:s5+s26], $0x80, s19, s26, $0xb8;
	[tilespmem:$0x1BC80] =	vst v63  }
0x50: {  	_ =	swait.ge [sflag:s30], $0x4000  }
0x51: {  	[sflag:s30] =	ssyncset.done $0x0  }
0x52: {  	[sflag:s30] =	ssyncadd.s32 $0xFFFFC000  }
0x53: {  	[spmem:s3] =	stream.indirect.scatter.add.f32 [tilespmem:s22], [sflag:$0x7], $0x80, s26, s26, $0xb8;
	[tilespmem:$0x1BC80] =	vst v63  }
0x54: {  	_ =	swait.ge [sflag:s23], $0x4000  }
0x55: {  	[sflag:s23] =	ssyncset.done $0x0  }
0x56: {  	s13 =	sadd.s32 $0xFFFFFC00, s12;
	[sflag:s23] =	ssyncadd.s32 $0xFFFFC000  }
0x57: {  	[tilespmem:s4], [sflag:$0x1] =	stream.linear.gather [hbm4b:s13+s4], $0x100, $0x38;
	[tilespmem:$0x1BC80] =	vst v63  }
0x58: {  	_ =	swait.ge [sflag:s31], $0x100  }
0x59: {  	[sflag:s31] =	ssyncset.done $0x0  }
0x5a: {  	[sflag:s31] =	ssyncadd.s32 $0xFFFFFF00  }
0x5b: {  	[tilespmem:s22], [sflag:$0x5] =	stream.indirect.gather [hbm4b:s5+s26], $0x80, s20, s26, $0xb8;
	[tilespmem:$0x1BC80] =	vst v63  }
0x5c: {  	_ =	swait.ge [sflag:s1], $0x4000  }
0x5d: {  	[sflag:s1] =	ssyncset.done $0x0  }
0x5e: {  	[sflag:s1] =	ssyncadd.s32 $0xFFFFC000  }
0x5f: {  	[spmem:s3] =	stream.indirect.scatter.add.f32 [tilespmem:s29], [sflag:$0x7], $0x80, s0, s26, $0xb8;
	[tilespmem:$0x1BC80] =	vst v63  }
0x60: {  	_ =	swait.ge [sflag:s23], $0x4000  }
0x61: {  	[sflag:s23] =	ssyncset.done $0x0  }
0x62: {  	[sflag:s23] =	ssyncadd.s32 $0xFFFFC000  }
0x63: {  	[tilespmem:s19], [sflag:$0x2] =	stream.linear.gather [hbm4b:s12+s4], $0x100, $0x38;
	[tilespmem:$0x1BC80] =	vst v63  }
0x64: {  	_ =	swait.ge [sflag:s8], $0x100  }
0x65: {  	[sflag:s8] =	ssyncset.done $0x0  }
0x66: {  	[sflag:s8] =	ssyncadd.s32 $0xFFFFFF00  }
0x67: {  	[tilespmem:s29], [sflag:$0x6] =	stream.indirect.gather [hbm4b:s5+s26], $0x80, s21, s26, $0xb8;
	[tilespmem:$0x1BC80] =	vst v63  }
0x68: {  	s18 =	sadd.s32 $0x0, s6;
	_ =	swait.ge [sflag:s30], $0x4000  }
0x69: {  	s11 =	sadd.s32 $0xC0, s18;
	[sflag:s30] =	ssyncset.done $0x0  }
0x6a: {  	p1 =	slt.s32 s11, $0x9C3;
	s14 =	rddreg [dreg:$0x4];
	[sflag:s30] =	ssyncadd.s32 $0xFFFFC000  }
0x6b: {  	[spmem:s3] =	stream.indirect.scatter.add.f32 [tilespmem:s22], [sflag:$0x7], $0x80, s14, s26, $0xb8;
	[tilespmem:$0x1BC80] =	vst v63  }
0x6c: {  	s11 =	simm.s32 @!p1 $0x9C3;
	_ =	swait.ge [sflag:s23], $0x4000  }
0x6d: {  	s11 =	sshll.u32 s11, $0x5;
	[sflag:s23] =	ssyncset.done $0x0  }
0x6e: {  	s11 =	sadd.s32 s2, s11;
	[sflag:s23] =	ssyncadd.s32 $0xFFFFC000  }
0x6f: {  	[tilespmem:s20], [sflag:$0x3] =	stream.linear.gather [hbm4b:s11+s4], $0x100, $0x38;
	[tilespmem:$0x1BC80] =	vst v63  }
0x70: {  	_ =	swait.ge [sflag:s24], $0x100  }
0x71: {  	[sflag:s24] =	ssyncset.done $0x0  }
0x72: {  	[sflag:s24] =	ssyncadd.s32 $0xFFFFFF00  }
0x73: {  	[tilespmem:s22], [sflag:$0x5] =	stream.indirect.gather [hbm4b:s5+s26], $0x80, s4, s26, $0xb8;
	[tilespmem:$0x1BC80] =	vst v63  }
0x74: {  	_ =	swait.ge [sflag:s1], $0x4000  }
0x75: {  	s18 =	sadd.s32 $0xE0, s18;
	[sflag:s1] =	ssyncset.done $0x0  }
0x76: {  	p1 =	slt.s32 s18, $0x9C3;
	s15 =	rddreg [dreg:$0x5];
	[sflag:s1] =	ssyncadd.s32 $0xFFFFC000  }
0x77: {  	[spmem:s3] =	stream.indirect.scatter.add.f32 [tilespmem:s29], [sflag:$0x7], $0x80, s15, s26, $0xb8;
	[tilespmem:$0x1BC80] =	vst v63  }
0x78: {  	s18 =	simm.s32 @!p1 $0x9C3;
	_ =	swait.ge [sflag:s23], $0x4000  }
0x79: {  	s18 =	sshll.u32 s18, $0x5;
	[sflag:s23] =	ssyncset.done $0x0  }
0x7a: {  	s11 =	sadd.s32 s2, s18;
	[sflag:s23] =	ssyncadd.s32 $0xFFFFC000  }
0x7b: {  	[tilespmem:s21], [sflag:$0x4] =	stream.linear.gather [hbm4b:s11+s4], $0x100, $0x38;
	[tilespmem:$0x1BC80] =	vst v63  }
0x7c: {  	_ =	swait.ge [sflag:s28], $0x100  }
0x7d: {  	s18 =	smov.u32 s12;
	s11 =	simm.s32 $0x80;
	[sflag:s28] =	ssyncset.done $0x0  }
.LBB2_4:
0x7e: {  	[sflag:s28] =	ssyncadd.s32 $0xFFFFFF00  }
0x7f: {  	[tilespmem:s29], [sflag:$0x6] =	stream.indirect.gather [hbm4b:s5+s26], $0x80, s19, s26, $0xb8;
	[tilespmem:$0x1BC80] =	vst v63  }
0x80: {  	_ =	swait.ge [sflag:s30], $0x4000  }
0x81: {  	[sflag:s30] =	ssyncset.done $0x0  }
0x82: {  	[sflag:s30] =	ssyncadd.s32 $0xFFFFC000  }
0x83: {  	[spmem:s3] =	stream.indirect.scatter.add.f32 [tilespmem:s22], [sflag:$0x7], $0x80, s26, s26, $0xb8;
	[tilespmem:$0x1BC80] =	vst v63  }
0x84: {  	_ =	swait.ge [sflag:s23], $0x4000  }
0x85: {  	s18 =	sadd.s32 $0x1000, s18;
	[sflag:s23] =	ssyncset.done $0x0  }
0x86: {  	s14 =	sadd.s32 $0xFFFFFC00, s18;
	[sflag:s23] =	ssyncadd.s32 $0xFFFFC000  }
0x87: {  	[tilespmem:s4], [sflag:$0x1] =	stream.linear.gather [hbm4b:s14+s4], $0x100, $0x38;
	[tilespmem:$0x1BC80] =	vst v63  }
0x88: {  	_ =	swait.ge [sflag:s31], $0x100  }
0x89: {  	[sflag:s31] =	ssyncset.done $0x0  }
0x8a: {  	[sflag:s31] =	ssyncadd.s32 $0xFFFFFF00  }
0x8b: {  	[tilespmem:s22], [sflag:$0x5] =	stream.indirect.gather [hbm4b:s5+s26], $0x80, s20, s26, $0xb8;
	[tilespmem:$0x1BC80] =	vst v63  }
0x8c: {  	_ =	swait.ge [sflag:s1], $0x4000  }
0x8d: {  	[sflag:s1] =	ssyncset.done $0x0  }
0x8e: {  	[sflag:s1] =	ssyncadd.s32 $0xFFFFC000  }
0x8f: {  	[spmem:s3] =	stream.indirect.scatter.add.f32 [tilespmem:s29], [sflag:$0x7], $0x80, s0, s26, $0xb8;
	[tilespmem:$0x1BC80] =	vst v63  }
0x90: {  	_ =	swait.ge [sflag:s23], $0x4000  }
0x91: {  	[sflag:s23] =	ssyncset.done $0x0  }
0x92: {  	[sflag:s23] =	ssyncadd.s32 $0xFFFFC000  }
0x93: {  	[tilespmem:s19], [sflag:$0x2] =	stream.linear.gather [hbm4b:s18+s4], $0x100, $0x38;
	[tilespmem:$0x1BC80] =	vst v63  }
0x94: {  	_ =	swait.ge [sflag:s8], $0x100  }
0x95: {  	[sflag:s8] =	ssyncset.done $0x0  }
0x96: {  	s13 =	smov.u32 s11;
	[sflag:s8] =	ssyncadd.s32 $0xFFFFFF00  }
0x97: {  	[tilespmem:s29], [sflag:$0x6] =	stream.indirect.gather [hbm4b:s5+s26], $0x80, s21, s26, $0xb8;
	[tilespmem:$0x1BC80] =	vst v63  }
0x98: {  	s13 =	sadd.s32 s13, s6;
	_ =	swait.ge [sflag:s30], $0x4000  }
0x99: {  	s15 =	sadd.s32 $0xC0, s13;
	[sflag:s30] =	ssyncset.done $0x0  }
0x9a: {  	p2 =	slt.s32 s15, $0x9C3;
	s14 =	rddreg [dreg:$0x4];
	[sflag:s30] =	ssyncadd.s32 $0xFFFFC000  }
0x9b: {  	[spmem:s3] =	stream.indirect.scatter.add.f32 [tilespmem:s22], [sflag:$0x7], $0x80, s14, s26, $0xb8;
	[tilespmem:$0x1BC80] =	vst v63  }
0x9c: {  	s15 =	simm.s32 @!p2 $0x9C3;
	_ =	swait.ge [sflag:s23], $0x4000  }
0x9d: {  	s15 =	sshll.u32 s15, $0x5;
	[sflag:s23] =	ssyncset.done $0x0  }
0x9e: {  	s14 =	sadd.s32 s2, s15;
	[sflag:s23] =	ssyncadd.s32 $0xFFFFC000  }
0x9f: {  	[tilespmem:s20], [sflag:$0x3] =	stream.linear.gather [hbm4b:s14+s4], $0x100, $0x38;
	[tilespmem:$0x1BC80] =	vst v63  }
0xa0: {  	_ =	swait.ge [sflag:s24], $0x100  }
0xa1: {  	[sflag:s24] =	ssyncset.done $0x0  }
0xa2: {  	[sflag:s24] =	ssyncadd.s32 $0xFFFFFF00  }
0xa3: {  	[tilespmem:s22], [sflag:$0x5] =	stream.indirect.gather [hbm4b:s5+s26], $0x80, s4, s26, $0xb8;
	[tilespmem:$0x1BC80] =	vst v63  }
0xa4: {  	_ =	swait.ge [sflag:s1], $0x4000  }
0xa5: {  	s13 =	sadd.s32 $0xE0, s13;
	[sflag:s1] =	ssyncset.done $0x0  }
0xa6: {  	p3 =	slt.s32 s13, $0x9C3;
	s15 =	rddreg [dreg:$0x5];
	[sflag:s1] =	ssyncadd.s32 $0xFFFFC000  }
0xa7: {  	[spmem:s3] =	stream.indirect.scatter.add.f32 [tilespmem:s29], [sflag:$0x7], $0x80, s15, s26, $0xb8;
	[tilespmem:$0x1BC80] =	vst v63  }
0xa8: {  	p1 =	sne.s32 s11, $0x900;
	s13 =	simm.s32 @!p3 $0x9C3;
	_ =	swait.ge [sflag:s23], $0x4000  }
.Ltmp1:
0xa9: {  	s13 =	sshll.u32 s13, $0x5;
	[sflag:s23] =	ssyncset.done $0x0;
	(pc) =	sbr.rel @p1 .LBB2_4-.Ltmp1, $4  }
0xaa: {  	s13 =	sadd.s32 s2, s13;
	[sflag:s23] =	ssyncadd.s32 $0xFFFFC000  }
0xab: {  	[tilespmem:s21], [sflag:$0x4] =	stream.linear.gather [hbm4b:s13+s4], $0x100, $0x38;
	[tilespmem:$0x1BC80] =	vst v63  }
0xac: {  	_ =	swait.ge [sflag:s28], $0x100  }
0xad: {  	s11 =	sadd.s32 $0x80, s11;
	[sflag:s28] =	ssyncset.done $0x0  }
0xae: {  	[sflag:s28] =	ssyncadd.s32 $0xFFFFFF00  }
0xaf: {  	[tilespmem:s29], [sflag:$0x6] =	stream.indirect.gather [hbm4b:s5+s26], $0x80, s19, s26, $0xb8;
	[tilespmem:$0x1BC80] =	vst v63  }
0xb0: {  	_ =	swait.ge [sflag:s30], $0x4000  }
0xb1: {  	[sflag:s30] =	ssyncset.done $0x0  }
0xb2: {  	[sflag:s30] =	ssyncadd.s32 $0xFFFFC000  }
0xb3: {  	[spmem:s3] =	stream.indirect.scatter.add.f32 [tilespmem:s22], [sflag:$0x7], $0x80, s26, s26, $0xb8;
	[tilespmem:$0x1BC80] =	vst v63  }
0xb4: {  	_ =	swait.ge [sflag:s23], $0x4000  }
0xb5: {  	[sflag:s23] =	ssyncset.done $0x0  }
0xb6: {  	[sflag:s23] =	ssyncadd.s32 $0xFFFFC000  }
0xb7: {  	_ =	swait.ge [sflag:s31], $0x100  }
0xb8: {  	[sflag:s31] =	ssyncset.done $0x0  }
0xb9: {  	[sflag:s31] =	ssyncadd.s32 $0xFFFFFF00  }
0xba: {  	[tilespmem:s22], [sflag:$0x5] =	stream.indirect.gather [hbm4b:s5+s26], $0x80, s20, s26, $0xb8;
	[tilespmem:$0x1BC80] =	vst v63  }
0xbb: {  	_ =	swait.ge [sflag:s1], $0x4000  }
0xbc: {  	[sflag:s1] =	ssyncset.done $0x0  }
0xbd: {  	[sflag:s1] =	ssyncadd.s32 $0xFFFFC000  }
0xbe: {  	[spmem:s3] =	stream.indirect.scatter.add.f32 [tilespmem:s29], [sflag:$0x7], $0x80, s0, s26, $0xb8;
	[tilespmem:$0x1BC80] =	vst v63  }
0xbf: {  	_ =	swait.ge [sflag:s23], $0x4000  }
0xc0: {  	[sflag:s23] =	ssyncset.done $0x0  }
0xc1: {  	[sflag:s23] =	ssyncadd.s32 $0xFFFFC000  }
0xc2: {  	_ =	swait.ge [sflag:s8], $0x100  }
0xc3: {  	[sflag:s8] =	ssyncset.done $0x0  }
0xc4: {  	[sflag:s8] =	ssyncadd.s32 $0xFFFFFF00  }
0xc5: {  	[tilespmem:s29], [sflag:$0x6] =	stream.indirect.gather [hbm4b:s5+s26], $0x80, s21, s26, $0xb8;
	[tilespmem:$0x1BC80] =	vst v63  }
0xc6: {  	_ =	swait.ge [sflag:s30], $0x4000  }
0xc7: {  	s11 =	simm.s32 @!p0 $0x80;
	[sflag:s30] =	ssyncset.done $0x0  }
0xc8: {  	s13 =	simm.s32 @!p0 $0x280;
	s14 =	simm.s32 @!p0 $0x400;
	[sflag:s30] =	ssyncadd.s32 $0xFFFFC000  }
0xc9: {  	[spmem:s3] =	stream.indirect.scatter.add.f32 @!p0 [tilespmem:s14], [sflag:$0x7], $0x80, s13, s11, $0xb8;
	[tilespmem:$0x1BC80] =	vst v63  }
0xca: {  	s11 =	simm.s32 @!p0 $0x7  }
0xcb: {  	_ =	swait.ge @!p0 [sflag:s11], $0x4000  }
0xcc: {  	[sflag:s11] =	ssyncset.done @!p0 $0x0  }
0xcd: {  	[sflag:s11] =	ssyncadd.s32 @!p0 $0xFFFFC000  }
0xce: {  	_ =	swait.ge [sflag:s1], $0x4000  }
0xcf: {  	s18 =	stileid.u32;
	s10 =	sadd.s32 $0x1, s10;
	[sflag:s1] =	ssyncset.done $0x0  }
0xd0: {  	p1 =	sne.s32 s10, s17;
	s11 =	sshll.u32 s18, $0x6;
	[sflag:s1] =	ssyncadd.s32 $0xFFFFC000  }
.Ltmp2:
0xd1: {  	s11 =	sor.u32 $0x1C07, s11;
	[bflag:$0x0] =	sbarrier.arrive $0xFFFF;
	(pc) =	sbr.rel @p1 .LBB2_1-.Ltmp2, $4  }
0xd2: {  	[hbm:s16], [sflag:s11] =	dma.local [spmem:s25], $0x2780  }
0xd3: {  	_ =	swait.ge [sflag:s23], $0x2780  }
0xd4: {  	[sflag:s23] =	ssyncset.done $0x0  }
0xd5: {  	[sflag:s23] =	ssyncadd.s32 $0xFFFFD880  }
0xd6: {  	_ =	sfence.sel $0x180000  }
0xd7: {  	[bflag:$0x0] =	sbarrier.arrive $0xFFFF  }
0xd8: {  	_ =	strace $0x9000004A  }
0xd9: {  	s0 =	stileid.u32;
	[bflag:$0x2] =	sbarrier.arrive $0xFFFF  }
0xda: {  	p0 =	sne.s32 s0, $0x0;
	s0 =	rddreg [dreg:$0x3]  }
0xdb: {  	s0 =	sadd.s32 @!p0 $0x100000, s0  }
0xdc: {  	[sflag:s0] =	ssyncadd.tile.s32 @!p0 $0x1;
	_ =	shalt  }
.Lfunc_end2:
_tile_overlayer_lowered:
.L_overlay_start_2:
0xdd: {  	(tag) =	ssettag $0x2  }
0xde: {  	s0 =	rddreg [dreg:$0x0];
	s2 =	stileid.u32  }
0xdf: {  	s1 =	rddreg [dreg:$0x1];
	p0 =	sne.s32 s2, $0x0  }
0xe0: {  	s3 =	rddreg [dreg:$0x2];
	[bflag:$0x3] =	sbarrier.arrive $0xFFFF;
	s2 =	simm.s32 @!p0 $0x1C07  }
0xe1: {  	[timem:s3], [sflag:s2] =	dma.local @!p0 [hbm:s0], s1  }
0xe2: {  	s0 =	simm.s32 @!p0 $0x7  }
0xe3: {  	_ =	swait.ge @!p0 [sflag:s0], s1  }
0xe4: {  	s1 =	ssub.s32 @!p0 $0x0, s1;
	[sflag:s0] =	ssyncset.done @!p0 $0x0  }
0xe5: {  	[sflag:s0] =	ssyncadd.s32 @!p0 s1  }
0xe6: {  	[bflag:$0x3] =	sbarrier.arrive $0xFFFF  }
0xe7: {  	_ =	shalt  }

</sc_bundles>
